<compile_context>
chip_gen: v7x
topology: tpu7x:2x2x1
jax: 0.10.2.dev20260603
libtpu: 0.0.44.dev20260713+nightly
codegen_flags: <defaults>
</compile_context>

<pallas_src>
import jax
import jax.numpy as jnp
from jax import lax
from jax.experimental import pallas as pl
from jax.experimental.pallas import tpu as pltpu
from jax.experimental.pallas import tpu_sc as plsc

NC = 2
NS = 16
L = 16
NW = NC * NS

BATCH = 16384
D = 32
W = 128
RPW = 4
NV_W = 1000000 * D // W
BPW = BATCH // NW
CHUNK = 128
NCHUNK = BPW // CHUNK
HALF = BPW // 2


def _mf_body(urids_hbm, irids_hbm, uoff_hbm, ioff_hbm, uemb_hbm, iemb_hbm,
             out_hbm, uridx, iridx, uoffv, ioffv, urows, irows, outv, sem):
    wid = lax.axis_index("s") * NC + lax.axis_index("c")

    pltpu.sync_copy(urids_hbm.at[wid], uridx)
    pltpu.sync_copy(irids_hbm.at[wid], iridx)
    pltpu.sync_copy(uoff_hbm.at[wid], uoffv)
    pltpu.sync_copy(ioff_hbm.at[wid], ioffv)

    last_lane = lax.broadcasted_iota(jnp.int32, (L,), 0) == (L - 1)

    for h in range(2):
        copies = []
        for c in range(NCHUNK // 2):
            copies.append(pltpu.async_copy(
                uemb_hbm.at[uridx.at[h * (NCHUNK // 2) + c]],
                urows.at[pl.ds(c * CHUNK, CHUNK), :], sem))
            copies.append(pltpu.async_copy(
                iemb_hbm.at[iridx.at[h * (NCHUNK // 2) + c]],
                irows.at[pl.ds(c * CHUNK, CHUNK), :], sem))
        for cp in copies:
            cp.wait()

        def group_body(g, _):
            uov = uoffv[pl.ds(h * HALF + g * L, L)]
            iov = ioffv[pl.ds(h * HALF + g * L, L)]
            for j in range(L):
                r = g * L + j
                uo = uov[j]
                io = iov[j]
                acc = (urows[r, pl.ds(uo, L)] * irows[r, pl.ds(io, L)]
                       + urows[r, pl.ds(uo + L, L)]
                       * irows[r, pl.ds(io + L, L)])
                total = plsc.cumsum(acc)
                plsc.store_scatter(
                    outv, [jnp.full((L,), h * HALF + r, jnp.int32)], total,
                    mask=last_lane)
            return 0

        lax.fori_loop(0, HALF // L, group_body, 0)

    pltpu.sync_copy(outv, out_hbm.at[pl.ds(wid * BPW, BPW)])


@jax.jit
def kernel(x, user_embedding, item_embedding):
    uids = x[:, 0].astype(jnp.int32)
    iids = x[:, 1].astype(jnp.int32)
    urids = (uids >> 2).reshape(NW, NCHUNK, CHUNK)
    irids = (iids >> 2).reshape(NW, NCHUNK, CHUNK)
    uoff = ((uids & 3) * D).reshape(NW, BPW)
    ioff = ((iids & 3) * D).reshape(NW, BPW)
    uembW = user_embedding.reshape(NV_W, W)
    iembW = item_embedding.reshape(NV_W, W)
    mesh = plsc.VectorSubcoreMesh(core_axis_name="c", subcore_axis_name="s")
    run = pl.kernel(
        _mf_body,
        out_type=jax.ShapeDtypeStruct((BATCH,), jnp.float32),
        mesh=mesh,
        compiler_params=pltpu.CompilerParams(
            needs_layout_passes=False, use_tc_tiling_on_sc=False),
        scratch_types=[
            pltpu.VMEM((NCHUNK, CHUNK), jnp.int32),
            pltpu.VMEM((NCHUNK, CHUNK), jnp.int32),
            pltpu.VMEM((BPW,), jnp.int32),
            pltpu.VMEM((BPW,), jnp.int32),
            pltpu.VMEM((HALF, W), jnp.float32),
            pltpu.VMEM((HALF, W), jnp.float32),
            pltpu.VMEM((BPW,), jnp.float32),
            pltpu.SemaphoreType.DMA,
        ],
    )
    return run(urids, irids, uoff, ioff, uembW, iembW)

# --- scband reference (transcript-rebuilt; emitter-appended) ---
"""Pipeline reference for scband-mf-86114094284978 (READ-ONLY COPY).

The authoritative reference and input builder live on the scoring server;
editing this copy changes nothing except your own understanding.
"""

import jax, jax.numpy as jnp
import numpy as np

NUM_USERS = 1000000
NUM_ITEMS = 1000000
EMBED_DIM = 32
BATCH = 16384


def setup_inputs(seed: int = 0) -> dict:
    key = jax.random.key(seed)
    k1, k2, k3 = jax.random.split(key, 3)
    x = jax.random.randint(k1, (BATCH, 2), 0, NUM_USERS, dtype=jnp.int64) if jax.config.jax_enable_x64 else jax.random.randint(k1, (BATCH, 2), 0, NUM_USERS, dtype=jnp.int32)
    user_embedding = jax.random.normal(k2, (NUM_USERS, EMBED_DIM), dtype=jnp.float32)
    item_embedding = jax.random.normal(k3, (NUM_ITEMS, EMBED_DIM), dtype=jnp.float32)
    return {"x": x, "user_embedding": user_embedding, "item_embedding": item_embedding}


def reference(x, user_embedding, item_embedding):
    user_ids = x[:, 0]
    item_ids = x[:, 1]
    x_users = jnp.take(user_embedding, user_ids, axis=0)
    x_items = jnp.take(item_embedding, item_ids, axis=0)
    rating = jnp.sum(x_users * x_items, axis=1)
    return rating

if __name__ == "__main__":
    import jax
    _d = setup_inputs()
    print(jax.jit(kernel)(*tuple(_d.values())))

</pallas_src>

<mosaic_0001>
#map = affine_map<(d0, d1) -> (0, 0, 0)>
#map1 = affine_map<(d0, d1) -> (0, 0)>
#map2 = affine_map<(d0, d1) -> (0)>
module attributes {stable_mosaic.version = 14 : i64} {
  func.func @_mf_body(%arg0: i32, %arg1: i32, %arg2: memref<32x4x128xi32, #tpu.memory_space<hbm>>, %arg3: memref<32x4x128xi32, #tpu.memory_space<hbm>>, %arg4: memref<32x512xi32, #tpu.memory_space<hbm>>, %arg5: memref<32x512xi32, #tpu.memory_space<hbm>>, %arg6: memref<250000x128xf32, #tpu.memory_space<hbm>>, %arg7: memref<250000x128xf32, #tpu.memory_space<hbm>>, %arg8: memref<16384xf32, #tpu.memory_space<hbm>>, %arg9: memref<4x128xi32, #tpu.memory_space<vmem>>, %arg10: memref<4x128xi32, #tpu.memory_space<vmem>>, %arg11: memref<512xi32, #tpu.memory_space<vmem>>, %arg12: memref<512xi32, #tpu.memory_space<vmem>>, %arg13: memref<256x128xf32, #tpu.memory_space<vmem>>, %arg14: memref<256x128xf32, #tpu.memory_space<vmem>>, %arg15: memref<512xf32, #tpu.memory_space<vmem>>, %arg16: memref<!tpu.dma_semaphore, #tpu.memory_space<semaphore_mem>>) attributes {dimension_semantics = [#tpu.dimension_semantics<core_parallel>, #tpu.dimension_semantics<subcore_parallel>], iteration_bounds = array<i64: 2, 16>, scalar_prefetch = 0 : i64, scratch_operands = 8 : i64, tpu.core_type = #tpu.core_type<sc_vector_subcore>, window_params = [{transform_indices = #map}, {transform_indices = #map}, {transform_indices = #map1}, {transform_indices = #map1}, {transform_indices = #map1}, {transform_indices = #map1}, {transform_indices = #map2}]} {
    %mul3A = arith.constant 2 : i32
    %mul3A_0 = arith.muli %arg1, %mul3A : i32
    %add3A = arith.addi %mul3A_0, %arg0 : i32
    "tpu.region"() ({
      %run_scoped3A = tpu.sem_alloc : memref<!tpu.dma_semaphore, #tpu.memory_space<semaphore_mem>>
      %dma_start3A_176 = arith.constant 0 : i32
      %dma_start3A_177 = arith.constant 0 : i32
      %dma_start3A_178 = tpu.memref_slice %arg2[%add3A, %dma_start3A_176, %dma_start3A_177] : memref<32x4x128xi32, #tpu.memory_space<hbm>> -> memref<1x4x128xi32, #tpu.memory_space<hbm>>
      %dma_start3A_179 = tpu.memref_squeeze %dma_start3A_178 : memref<1x4x128xi32, #tpu.memory_space<hbm>> -> memref<4x128xi32, #tpu.memory_space<hbm>>
      %dma_start3A_180 = arith.constant 0 : i32
      %dma_start3A_181 = arith.constant 0 : i32
      %dma_start3A_182 = tpu.memref_slice %arg2[%add3A, %dma_start3A_180, %dma_start3A_181] : memref<32x4x128xi32, #tpu.memory_space<hbm>> -> memref<1x4x128xi32, #tpu.memory_space<hbm>>
      %dma_start3A_183 = tpu.memref_squeeze %dma_start3A_182 : memref<1x4x128xi32, #tpu.memory_space<hbm>> -> memref<4x128xi32, #tpu.memory_space<hbm>>
      tpu.enqueue_dma source(%dma_start3A_183 : memref<4x128xi32, #tpu.memory_space<hbm>>) target(%arg9 : memref<4x128xi32, #tpu.memory_space<vmem>>) target_semaphore(%run_scoped3A : memref<!tpu.dma_semaphore, #tpu.memory_space<semaphore_mem>>)
      %dma_wait3A_184 = arith.constant 0 : i32
      %dma_wait3A_185 = arith.constant 0 : i32
      %dma_wait3A_186 = tpu.memref_slice %arg2[%add3A, %dma_wait3A_184, %dma_wait3A_185] : memref<32x4x128xi32, #tpu.memory_space<hbm>> -> memref<1x4x128xi32, #tpu.memory_space<hbm>>
      %dma_wait3A_187 = tpu.memref_squeeze %dma_wait3A_186 : memref<1x4x128xi32, #tpu.memory_space<hbm>> -> memref<4x128xi32, #tpu.memory_space<hbm>>
      %dma_wait3A_188 = arith.constant 0 : i32
      %dma_wait3A_189 = arith.constant 0 : i32
      %dma_wait3A_190 = tpu.memref_slice %arg2[%add3A, %dma_wait3A_188, %dma_wait3A_189] : memref<32x4x128xi32, #tpu.memory_space<hbm>> -> memref<1x4x128xi32, #tpu.memory_space<hbm>>
      %dma_wait3A_191 = tpu.memref_squeeze %dma_wait3A_190 : memref<1x4x128xi32, #tpu.memory_space<hbm>> -> memref<4x128xi32, #tpu.memory_space<hbm>>
      tpu.wait_dma2 semaphore(%run_scoped3A : memref<!tpu.dma_semaphore, #tpu.memory_space<semaphore_mem>>) src(%dma_wait3A_191 : memref<4x128xi32, #tpu.memory_space<hbm>>) dst(%arg9 : memref<4x128xi32, #tpu.memory_space<vmem>>)
      tpu.yield
    }) : () -> ()
    "tpu.region"() ({
      %run_scoped3A = tpu.sem_alloc : memref<!tpu.dma_semaphore, #tpu.memory_space<semaphore_mem>>
      %dma_start3A_176 = arith.constant 0 : i32
      %dma_start3A_177 = arith.constant 0 : i32
      %dma_start3A_178 = tpu.memref_slice %arg3[%add3A, %dma_start3A_176, %dma_start3A_177] : memref<32x4x128xi32, #tpu.memory_space<hbm>> -> memref<1x4x128xi32, #tpu.memory_space<hbm>>
      %dma_start3A_179 = tpu.memref_squeeze %dma_start3A_178 : memref<1x4x128xi32, #tpu.memory_space<hbm>> -> memref<4x128xi32, #tpu.memory_space<hbm>>
      %dma_start3A_180 = arith.constant 0 : i32
      %dma_start3A_181 = arith.constant 0 : i32
      %dma_start3A_182 = tpu.memref_slice %arg3[%add3A, %dma_start3A_180, %dma_start3A_181] : memref<32x4x128xi32, #tpu.memory_space<hbm>> -> memref<1x4x128xi32, #tpu.memory_space<hbm>>
      %dma_start3A_183 = tpu.memref_squeeze %dma_start3A_182 : memref<1x4x128xi32, #tpu.memory_space<hbm>> -> memref<4x128xi32, #tpu.memory_space<hbm>>
      tpu.enqueue_dma source(%dma_start3A_183 : memref<4x128xi32, #tpu.memory_space<hbm>>) target(%arg10 : memref<4x128xi32, #tpu.memory_space<vmem>>) target_semaphore(%run_scoped3A : memref<!tpu.dma_semaphore, #tpu.memory_space<semaphore_mem>>)
      %dma_wait3A_184 = arith.constant 0 : i32
      %dma_wait3A_185 = arith.constant 0 : i32
      %dma_wait3A_186 = tpu.memref_slice %arg3[%add3A, %dma_wait3A_184, %dma_wait3A_185] : memref<32x4x128xi32, #tpu.memory_space<hbm>> -> memref<1x4x128xi32, #tpu.memory_space<hbm>>
      %dma_wait3A_187 = tpu.memref_squeeze %dma_wait3A_186 : memref<1x4x128xi32, #tpu.memory_space<hbm>> -> memref<4x128xi32, #tpu.memory_space<hbm>>
      %dma_wait3A_188 = arith.constant 0 : i32
      %dma_wait3A_189 = arith.constant 0 : i32
      %dma_wait3A_190 = tpu.memref_slice %arg3[%add3A, %dma_wait3A_188, %dma_wait3A_189] : memref<32x4x128xi32, #tpu.memory_space<hbm>> -> memref<1x4x128xi32, #tpu.memory_space<hbm>>
      %dma_wait3A_191 = tpu.memref_squeeze %dma_wait3A_190 : memref<1x4x128xi32, #tpu.memory_space<hbm>> -> memref<4x128xi32, #tpu.memory_space<hbm>>
      tpu.wait_dma2 semaphore(%run_scoped3A : memref<!tpu.dma_semaphore, #tpu.memory_space<semaphore_mem>>) src(%dma_wait3A_191 : memref<4x128xi32, #tpu.memory_space<hbm>>) dst(%arg10 : memref<4x128xi32, #tpu.memory_space<vmem>>)
      tpu.yield
    }) : () -> ()
    "tpu.region"() ({
      %run_scoped3A = tpu.sem_alloc : memref<!tpu.dma_semaphore, #tpu.memory_space<semaphore_mem>>
      %dma_start3A_176 = arith.constant 0 : i32
      %dma_start3A_177 = tpu.memref_slice %arg4[%add3A, %dma_start3A_176] : memref<32x512xi32, #tpu.memory_space<hbm>> -> memref<1x512xi32, #tpu.memory_space<hbm>>
      %dma_start3A_178 = tpu.memref_squeeze %dma_start3A_177 : memref<1x512xi32, #tpu.memory_space<hbm>> -> memref<512xi32, #tpu.memory_space<hbm>>
      %dma_start3A_179 = arith.constant 0 : i32
      %dma_start3A_180 = tpu.memref_slice %arg4[%add3A, %dma_start3A_179] : memref<32x512xi32, #tpu.memory_space<hbm>> -> memref<1x512xi32, #tpu.memory_space<hbm>>
      %dma_start3A_181 = tpu.memref_squeeze %dma_start3A_180 : memref<1x512xi32, #tpu.memory_space<hbm>> -> memref<512xi32, #tpu.memory_space<hbm>>
      tpu.enqueue_dma source(%dma_start3A_181 : memref<512xi32, #tpu.memory_space<hbm>>) target(%arg11 : memref<512xi32, #tpu.memory_space<vmem>>) target_semaphore(%run_scoped3A : memref<!tpu.dma_semaphore, #tpu.memory_space<semaphore_mem>>)
      %dma_wait3A_182 = arith.constant 0 : i32
      %dma_wait3A_183 = tpu.memref_slice %arg4[%add3A, %dma_wait3A_182] : memref<32x512xi32, #tpu.memory_space<hbm>> -> memref<1x512xi32, #tpu.memory_space<hbm>>
      %dma_wait3A_184 = tpu.memref_squeeze %dma_wait3A_183 : memref<1x512xi32, #tpu.memory_space<hbm>> -> memref<512xi32, #tpu.memory_space<hbm>>
      %dma_wait3A_185 = arith.constant 0 : i32
      %dma_wait3A_186 = tpu.memref_slice %arg4[%add3A, %dma_wait3A_185] : memref<32x512xi32, #tpu.memory_space<hbm>> -> memref<1x512xi32, #tpu.memory_space<hbm>>
      %dma_wait3A_187 = tpu.memref_squeeze %dma_wait3A_186 : memref<1x512xi32, #tpu.memory_space<hbm>> -> memref<512xi32, #tpu.memory_space<hbm>>
      tpu.wait_dma2 semaphore(%run_scoped3A : memref<!tpu.dma_semaphore, #tpu.memory_space<semaphore_mem>>) src(%dma_wait3A_187 : memref<512xi32, #tpu.memory_space<hbm>>) dst(%arg11 : memref<512xi32, #tpu.memory_space<vmem>>)
      tpu.yield
    }) : () -> ()
    "tpu.region"() ({
      %run_scoped3A = tpu.sem_alloc : memref<!tpu.dma_semaphore, #tpu.memory_space<semaphore_mem>>
      %dma_start3A_176 = arith.constant 0 : i32
      %dma_start3A_177 = tpu.memref_slice %arg5[%add3A, %dma_start3A_176] : memref<32x512xi32, #tpu.memory_space<hbm>> -> memref<1x512xi32, #tpu.memory_space<hbm>>
      %dma_start3A_178 = tpu.memref_squeeze %dma_start3A_177 : memref<1x512xi32, #tpu.memory_space<hbm>> -> memref<512xi32, #tpu.memory_space<hbm>>
      %dma_start3A_179 = arith.constant 0 : i32
      %dma_start3A_180 = tpu.memref_slice %arg5[%add3A, %dma_start3A_179] : memref<32x512xi32, #tpu.memory_space<hbm>> -> memref<1x512xi32, #tpu.memory_space<hbm>>
      %dma_start3A_181 = tpu.memref_squeeze %dma_start3A_180 : memref<1x512xi32, #tpu.memory_space<hbm>> -> memref<512xi32, #tpu.memory_space<hbm>>
      tpu.enqueue_dma source(%dma_start3A_181 : memref<512xi32, #tpu.memory_space<hbm>>) target(%arg12 : memref<512xi32, #tpu.memory_space<vmem>>) target_semaphore(%run_scoped3A : memref<!tpu.dma_semaphore, #tpu.memory_space<semaphore_mem>>)
      %dma_wait3A_182 = arith.constant 0 : i32
      %dma_wait3A_183 = tpu.memref_slice %arg5[%add3A, %dma_wait3A_182] : memref<32x512xi32, #tpu.memory_space<hbm>> -> memref<1x512xi32, #tpu.memory_space<hbm>>
      %dma_wait3A_184 = tpu.memref_squeeze %dma_wait3A_183 : memref<1x512xi32, #tpu.memory_space<hbm>> -> memref<512xi32, #tpu.memory_space<hbm>>
      %dma_wait3A_185 = arith.constant 0 : i32
      %dma_wait3A_186 = tpu.memref_slice %arg5[%add3A, %dma_wait3A_185] : memref<32x512xi32, #tpu.memory_space<hbm>> -> memref<1x512xi32, #tpu.memory_space<hbm>>
      %dma_wait3A_187 = tpu.memref_squeeze %dma_wait3A_186 : memref<1x512xi32, #tpu.memory_space<hbm>> -> memref<512xi32, #tpu.memory_space<hbm>>
      tpu.wait_dma2 semaphore(%run_scoped3A : memref<!tpu.dma_semaphore, #tpu.memory_space<semaphore_mem>>) src(%dma_wait3A_187 : memref<512xi32, #tpu.memory_space<hbm>>) dst(%arg12 : memref<512xi32, #tpu.memory_space<vmem>>)
      tpu.yield
    }) : () -> ()
    %iota3A = tpu.iota {dimensions = array<i32: 0>} : vector<16xi32>
    %eq3A = arith.constant 15 : i32
    %eq3A_1 = vector.broadcast %eq3A : i32 to vector<16xi32>
    %eq3A_2 = arith.cmpi eq, %iota3A, %eq3A_1 : vector<16xi32>
    %dma_start3A = arith.constant 0 : i32
    %dma_start3A_3 = arith.constant 0 : i32
    %dma_start3A_4 = arith.constant 0 : i32
    %dma_start3A_5 = tpu.memref_slice %arg13[%dma_start3A_3, %dma_start3A_4] : memref<256x128xf32, #tpu.memory_space<vmem>> -> memref<128x128xf32, #tpu.memory_space<vmem>>
    %dma_start3A_6 = arith.constant 0 : i32
    %dma_start3A_7 = tpu.memref_slice %arg9[%dma_start3A, %dma_start3A_6] : memref<4x128xi32, #tpu.memory_space<vmem>> -> memref<1x128xi32, #tpu.memory_space<vmem>>
    %dma_start3A_8 = tpu.memref_squeeze %dma_start3A_7 : memref<1x128xi32, #tpu.memory_space<vmem>> -> memref<128xi32, #tpu.memory_space<vmem>>
    %dma_start3A_9 = arith.constant 0 : i32
    %dma_start3A_10 = arith.constant 0 : i32
    %dma_start3A_11 = tpu.memref_slice %arg6[%dma_start3A_9, %dma_start3A_10] : memref<250000x128xf32, #tpu.memory_space<hbm>> -> memref<250000x128xf32, #tpu.memory_space<hbm>>
    tpu.enqueue_indirect_dma source(%dma_start3A_11 : memref<250000x128xf32, #tpu.memory_space<hbm>>) target(%dma_start3A_5 : memref<128x128xf32, #tpu.memory_space<vmem>>) offsets(%dma_start3A_8 : memref<128xi32, #tpu.memory_space<vmem>>) semaphore(%arg16 : memref<!tpu.dma_semaphore, #tpu.memory_space<semaphore_mem>>)
    %dma_start3A_12 = arith.constant 0 : i32
    %dma_start3A_13 = arith.constant 0 : i32
    %dma_start3A_14 = arith.constant 0 : i32
    %dma_start3A_15 = tpu.memref_slice %arg14[%dma_start3A_13, %dma_start3A_14] : memref<256x128xf32, #tpu.memory_space<vmem>> -> memref<128x128xf32, #tpu.memory_space<vmem>>
    %dma_start3A_16 = arith.constant 0 : i32
    %dma_start3A_17 = tpu.memref_slice %arg10[%dma_start3A_12, %dma_start3A_16] : memref<4x128xi32, #tpu.memory_space<vmem>> -> memref<1x128xi32, #tpu.memory_space<vmem>>
    %dma_start3A_18 = tpu.memref_squeeze %dma_start3A_17 : memref<1x128xi32, #tpu.memory_space<vmem>> -> memref<128xi32, #tpu.memory_space<vmem>>
    %dma_start3A_19 = arith.constant 0 : i32
    %dma_start3A_20 = arith.constant 0 : i32
    %dma_start3A_21 = tpu.memref_slice %arg7[%dma_start3A_19, %dma_start3A_20] : memref<250000x128xf32, #tpu.memory_space<hbm>> -> memref<250000x128xf32, #tpu.memory_space<hbm>>
    tpu.enqueue_indirect_dma source(%dma_start3A_21 : memref<250000x128xf32, #tpu.memory_space<hbm>>) target(%dma_start3A_15 : memref<128x128xf32, #tpu.memory_space<vmem>>) offsets(%dma_start3A_18 : memref<128xi32, #tpu.memory_space<vmem>>) semaphore(%arg16 : memref<!tpu.dma_semaphore, #tpu.memory_space<semaphore_mem>>)
    %dma_start3A_22 = arith.constant 1 : i32
    %dma_start3A_23 = arith.constant 128 : i32
    %dma_start3A_24 = arith.constant 0 : i32
    %dma_start3A_25 = tpu.memref_slice %arg13[%dma_start3A_23, %dma_start3A_24] : memref<256x128xf32, #tpu.memory_space<vmem>> -> memref<128x128xf32, #tpu.memory_space<vmem>>
    %dma_start3A_26 = arith.constant 0 : i32
    %dma_start3A_27 = tpu.memref_slice %arg9[%dma_start3A_22, %dma_start3A_26] : memref<4x128xi32, #tpu.memory_space<vmem>> -> memref<1x128xi32, #tpu.memory_space<vmem>>
    %dma_start3A_28 = tpu.memref_squeeze %dma_start3A_27 : memref<1x128xi32, #tpu.memory_space<vmem>> -> memref<128xi32, #tpu.memory_space<vmem>>
    %dma_start3A_29 = arith.constant 0 : i32
    %dma_start3A_30 = arith.constant 0 : i32
    %dma_start3A_31 = tpu.memref_slice %arg6[%dma_start3A_29, %dma_start3A_30] : memref<250000x128xf32, #tpu.memory_space<hbm>> -> memref<250000x128xf32, #tpu.memory_space<hbm>>
    tpu.enqueue_indirect_dma source(%dma_start3A_31 : memref<250000x128xf32, #tpu.memory_space<hbm>>) target(%dma_start3A_25 : memref<128x128xf32, #tpu.memory_space<vmem>>) offsets(%dma_start3A_28 : memref<128xi32, #tpu.memory_space<vmem>>) semaphore(%arg16 : memref<!tpu.dma_semaphore, #tpu.memory_space<semaphore_mem>>)
    %dma_start3A_32 = arith.constant 1 : i32
    %dma_start3A_33 = arith.constant 128 : i32
    %dma_start3A_34 = arith.constant 0 : i32
    %dma_start3A_35 = tpu.memref_slice %arg14[%dma_start3A_33, %dma_start3A_34] : memref<256x128xf32, #tpu.memory_space<vmem>> -> memref<128x128xf32, #tpu.memory_space<vmem>>
    %dma_start3A_36 = arith.constant 0 : i32
    %dma_start3A_37 = tpu.memref_slice %arg10[%dma_start3A_32, %dma_start3A_36] : memref<4x128xi32, #tpu.memory_space<vmem>> -> memref<1x128xi32, #tpu.memory_space<vmem>>
    %dma_start3A_38 = tpu.memref_squeeze %dma_start3A_37 : memref<1x128xi32, #tpu.memory_space<vmem>> -> memref<128xi32, #tpu.memory_space<vmem>>
    %dma_start3A_39 = arith.constant 0 : i32
    %dma_start3A_40 = arith.constant 0 : i32
    %dma_start3A_41 = tpu.memref_slice %arg7[%dma_start3A_39, %dma_start3A_40] : memref<250000x128xf32, #tpu.memory_space<hbm>> -> memref<250000x128xf32, #tpu.memory_space<hbm>>
    tpu.enqueue_indirect_dma source(%dma_start3A_41 : memref<250000x128xf32, #tpu.memory_space<hbm>>) target(%dma_start3A_35 : memref<128x128xf32, #tpu.memory_space<vmem>>) offsets(%dma_start3A_38 : memref<128xi32, #tpu.memory_space<vmem>>) semaphore(%arg16 : memref<!tpu.dma_semaphore, #tpu.memory_space<semaphore_mem>>)
    %dma_wait3A = arith.constant 0 : i32
    %dma_wait3A_42 = arith.constant 0 : i32
    %dma_wait3A_43 = arith.constant 0 : i32
    %dma_wait3A_44 = tpu.memref_slice %arg13[%dma_wait3A_42, %dma_wait3A_43] : memref<256x128xf32, #tpu.memory_space<vmem>> -> memref<128x128xf32, #tpu.memory_space<vmem>>
    %dma_wait3A_45 = arith.constant 0 : i32
    %dma_wait3A_46 = tpu.memref_slice %arg9[%dma_wait3A, %dma_wait3A_45] : memref<4x128xi32, #tpu.memory_space<vmem>> -> memref<1x128xi32, #tpu.memory_space<vmem>>
    %dma_wait3A_47 = tpu.memref_squeeze %dma_wait3A_46 : memref<1x128xi32, #tpu.memory_space<vmem>> -> memref<128xi32, #tpu.memory_space<vmem>>
    %dma_wait3A_48 = arith.constant 0 : i32
    %dma_wait3A_49 = arith.constant 0 : i32
    %dma_wait3A_50 = tpu.memref_slice %arg6[%dma_wait3A_48, %dma_wait3A_49] : memref<250000x128xf32, #tpu.memory_space<hbm>> -> memref<250000x128xf32, #tpu.memory_space<hbm>>
    tpu.wait_indirect_dma semaphore(%arg16 : memref<!tpu.dma_semaphore, #tpu.memory_space<semaphore_mem>>) src(%dma_wait3A_50 : memref<250000x128xf32, #tpu.memory_space<hbm>>) dst(%dma_wait3A_44 : memref<128x128xf32, #tpu.memory_space<vmem>>)
    %dma_wait3A_51 = arith.constant 0 : i32
    %dma_wait3A_52 = arith.constant 0 : i32
    %dma_wait3A_53 = arith.constant 0 : i32
    %dma_wait3A_54 = tpu.memref_slice %arg14[%dma_wait3A_52, %dma_wait3A_53] : memref<256x128xf32, #tpu.memory_space<vmem>> -> memref<128x128xf32, #tpu.memory_space<vmem>>
    %dma_wait3A_55 = arith.constant 0 : i32
    %dma_wait3A_56 = tpu.memref_slice %arg10[%dma_wait3A_51, %dma_wait3A_55] : memref<4x128xi32, #tpu.memory_space<vmem>> -> memref<1x128xi32, #tpu.memory_space<vmem>>
    %dma_wait3A_57 = tpu.memref_squeeze %dma_wait3A_56 : memref<1x128xi32, #tpu.memory_space<vmem>> -> memref<128xi32, #tpu.memory_space<vmem>>
    %dma_wait3A_58 = arith.constant 0 : i32
    %dma_wait3A_59 = arith.constant 0 : i32
    %dma_wait3A_60 = tpu.memref_slice %arg7[%dma_wait3A_58, %dma_wait3A_59] : memref<250000x128xf32, #tpu.memory_space<hbm>> -> memref<250000x128xf32, #tpu.memory_space<hbm>>
    tpu.wait_indirect_dma semaphore(%arg16 : memref<!tpu.dma_semaphore, #tpu.memory_space<semaphore_mem>>) src(%dma_wait3A_60 : memref<250000x128xf32, #tpu.memory_space<hbm>>) dst(%dma_wait3A_54 : memref<128x128xf32, #tpu.memory_space<vmem>>)
    %dma_wait3A_61 = arith.constant 1 : i32
    %dma_wait3A_62 = arith.constant 128 : i32
    %dma_wait3A_63 = arith.constant 0 : i32
    %dma_wait3A_64 = tpu.memref_slice %arg13[%dma_wait3A_62, %dma_wait3A_63] : memref<256x128xf32, #tpu.memory_space<vmem>> -> memref<128x128xf32, #tpu.memory_space<vmem>>
    %dma_wait3A_65 = arith.constant 0 : i32
    %dma_wait3A_66 = tpu.memref_slice %arg9[%dma_wait3A_61, %dma_wait3A_65] : memref<4x128xi32, #tpu.memory_space<vmem>> -> memref<1x128xi32, #tpu.memory_space<vmem>>
    %dma_wait3A_67 = tpu.memref_squeeze %dma_wait3A_66 : memref<1x128xi32, #tpu.memory_space<vmem>> -> memref<128xi32, #tpu.memory_space<vmem>>
    %dma_wait3A_68 = arith.constant 0 : i32
    %dma_wait3A_69 = arith.constant 0 : i32
    %dma_wait3A_70 = tpu.memref_slice %arg6[%dma_wait3A_68, %dma_wait3A_69] : memref<250000x128xf32, #tpu.memory_space<hbm>> -> memref<250000x128xf32, #tpu.memory_space<hbm>>
    tpu.wait_indirect_dma semaphore(%arg16 : memref<!tpu.dma_semaphore, #tpu.memory_space<semaphore_mem>>) src(%dma_wait3A_70 : memref<250000x128xf32, #tpu.memory_space<hbm>>) dst(%dma_wait3A_64 : memref<128x128xf32, #tpu.memory_space<vmem>>)
    %dma_wait3A_71 = arith.constant 1 : i32
    %dma_wait3A_72 = arith.constant 128 : i32
    %dma_wait3A_73 = arith.constant 0 : i32
    %dma_wait3A_74 = tpu.memref_slice %arg14[%dma_wait3A_72, %dma_wait3A_73] : memref<256x128xf32, #tpu.memory_space<vmem>> -> memref<128x128xf32, #tpu.memory_space<vmem>>
    %dma_wait3A_75 = arith.constant 0 : i32
    %dma_wait3A_76 = tpu.memref_slice %arg10[%dma_wait3A_71, %dma_wait3A_75] : memref<4x128xi32, #tpu.memory_space<vmem>> -> memref<1x128xi32, #tpu.memory_space<vmem>>
    %dma_wait3A_77 = tpu.memref_squeeze %dma_wait3A_76 : memref<1x128xi32, #tpu.memory_space<vmem>> -> memref<128xi32, #tpu.memory_space<vmem>>
    %dma_wait3A_78 = arith.constant 0 : i32
    %dma_wait3A_79 = arith.constant 0 : i32
    %dma_wait3A_80 = tpu.memref_slice %arg7[%dma_wait3A_78, %dma_wait3A_79] : memref<250000x128xf32, #tpu.memory_space<hbm>> -> memref<250000x128xf32, #tpu.memory_space<hbm>>
    tpu.wait_indirect_dma semaphore(%arg16 : memref<!tpu.dma_semaphore, #tpu.memory_space<semaphore_mem>>) src(%dma_wait3A_80 : memref<250000x128xf32, #tpu.memory_space<hbm>>) dst(%dma_wait3A_74 : memref<128x128xf32, #tpu.memory_space<vmem>>)
    %scan3A = arith.constant 0 : i32
    %scan3A_81 = arith.constant 0 : i32
    %scan3A_82 = arith.constant 16 : i32
    %scan3A_83 = arith.addi %scan3A_81, %scan3A_82 : i32
    %scan3A_84 = arith.constant 1 : i32
    %scan3A_85 = scf.for %scan3A_176 = %scan3A_81 to %scan3A_83 step %scan3A_84 iter_args(%scan3A_177 = %scan3A) -> (i32)  : i32 {
      %mul3A_178 = arith.constant 16 : i32
      %mul3A_179 = arith.muli %scan3A_176, %mul3A_178 : i32
      %add3A_180 = arith.constant 0 : i32
      %add3A_181 = arith.addi %add3A_180, %mul3A_179 : i32
      %get3A = arith.index_cast %add3A_181 : i32 to index
      %get3A_182 = tpu.vector_load %arg11[%get3A] {strides = array<i32>} : memref<512xi32, #tpu.memory_space<vmem>>, vector<16xi32>,
      %mul3A_183 = arith.constant 16 : i32
      %mul3A_184 = arith.muli %scan3A_176, %mul3A_183 : i32
      %add3A_185 = arith.constant 0 : i32
      %add3A_186 = arith.addi %add3A_185, %mul3A_184 : i32
      %get3A_187 = arith.index_cast %add3A_186 : i32 to index
      %get3A_188 = tpu.vector_load %arg12[%get3A_187] {strides = array<i32>} : memref<512xi32, #tpu.memory_space<vmem>>, vector<16xi32>,
      %mul3A_189 = arith.constant 16 : i32
      %mul3A_190 = arith.muli %scan3A_176, %mul3A_189 : i32
      %add3A_191 = arith.constant 0 : i32
      %add3A_192 = arith.addi %mul3A_190, %add3A_191 : i32
      %slice3A = vector.extract_strided_slice %get3A_182 {offsets = [0], sizes = [1], strides = [1]} : vector<16xi32> to vector<1xi32>
      %squeeze3A = vector.extract %slice3A[0] : i32 from vector<1xi32>
      %slice3A_193 = vector.extract_strided_slice %get3A_188 {offsets = [0], sizes = [1], strides = [1]} : vector<16xi32> to vector<1xi32>
      %squeeze3A_194 = vector.extract %slice3A_193[0] : i32 from vector<1xi32>
      %get3A_195 = arith.index_cast %add3A_192 : i32 to index
      %get3A_196 = arith.index_cast %squeeze3A : i32 to index
      %get3A_197 = tpu.vector_load %arg13[%get3A_195, %get3A_196] {strides = array<i32>} : memref<256x128xf32, #tpu.memory_space<vmem>>, vector<16xf32>,
      %get3A_198 = arith.index_cast %add3A_192 : i32 to index
      %get3A_199 = arith.index_cast %squeeze3A_194 : i32 to index
      %get3A_200 = tpu.vector_load %arg14[%get3A_198, %get3A_199] {strides = array<i32>} : memref<256x128xf32, #tpu.memory_space<vmem>>, vector<16xf32>,
      %mul3A_201 = arith.mulf %get3A_197, %get3A_200 : vector<16xf32>
      %add3A_202 = arith.constant 16 : i32
      %add3A_203 = arith.addi %squeeze3A, %add3A_202 : i32
      %get3A_204 = arith.index_cast %add3A_192 : i32 to index
      %get3A_205 = arith.index_cast %add3A_203 : i32 to index
      %get3A_206 = tpu.vector_load %arg13[%get3A_204, %get3A_205] {strides = array<i32>} : memref<256x128xf32, #tpu.memory_space<vmem>>, vector<16xf32>,
      %add3A_207 = arith.constant 16 : i32
      %add3A_208 = arith.addi %squeeze3A_194, %add3A_207 : i32
      %get3A_209 = arith.index_cast %add3A_192 : i32 to index
      %get3A_210 = arith.index_cast %add3A_208 : i32 to index
      %get3A_211 = tpu.vector_load %arg14[%get3A_209, %get3A_210] {strides = array<i32>} : memref<256x128xf32, #tpu.memory_space<vmem>>, vector<16xf32>,
      %mul3A_212 = arith.mulf %get3A_206, %get3A_211 : vector<16xf32>
      %add3A_213 = arith.addf %mul3A_201, %mul3A_212 : vector<16xf32>
      %broadcast_in_dim3A = arith.constant true
      %broadcast_in_dim3A_214 = vector.broadcast %broadcast_in_dim3A : i1 to vector<16xi1>
      %masked_cumsum3A = tpu.scan <sum>, %add3A_213 masked %broadcast_in_dim3A_214 : vector<16xf32>, vector<16xi1> -> vector<16xf32>
      %add3A_215 = arith.constant 0 : i32
      %add3A_216 = arith.addi %add3A_215, %add3A_192 : i32
      %broadcast_in_dim3A_217 = vector.broadcast %add3A_216 : i32 to vector<16xi32>
      tpu.vector_store_idx %arg15[%broadcast_in_dim3A_217], %masked_cumsum3A masked %eq3A_2 : memref<512xf32, #tpu.memory_space<vmem>>[vector<16xi32>], vector<16xf32>, vector<16xi1>
      %mul3A_218 = arith.constant 16 : i32
      %mul3A_219 = arith.muli %scan3A_176, %mul3A_218 : i32
      %add3A_220 = arith.constant 1 : i32
      %add3A_221 = arith.addi %mul3A_219, %add3A_220 : i32
      %slice3A_222 = vector.extract_strided_slice %get3A_182 {offsets = [1], sizes = [1], strides = [1]} : vector<16xi32> to vector<1xi32>
      %squeeze3A_223 = vector.extract %slice3A_222[0] : i32 from vector<1xi32>
      %slice3A_224 = vector.extract_strided_slice %get3A_188 {offsets = [1], sizes = [1], strides = [1]} : vector<16xi32> to vector<1xi32>
      %squeeze3A_225 = vector.extract %slice3A_224[0] : i32 from vector<1xi32>
      %get3A_226 = arith.index_cast %add3A_221 : i32 to index
      %get3A_227 = arith.index_cast %squeeze3A_223 : i32 to index
      %get3A_228 = tpu.vector_load %arg13[%get3A_226, %get3A_227] {strides = array<i32>} : memref<256x128xf32, #tpu.memory_space<vmem>>, vector<16xf32>,
      %get3A_229 = arith.index_cast %add3A_221 : i32 to index
      %get3A_230 = arith.index_cast %squeeze3A_225 : i32 to index
      %get3A_231 = tpu.vector_load %arg14[%get3A_229, %get3A_230] {strides = array<i32>} : memref<256x128xf32, #tpu.memory_space<vmem>>, vector<16xf32>,
      %mul3A_232 = arith.mulf %get3A_228, %get3A_231 : vector<16xf32>
      %add3A_233 = arith.constant 16 : i32
      %add3A_234 = arith.addi %squeeze3A_223, %add3A_233 : i32
      %get3A_235 = arith.index_cast %add3A_221 : i32 to index
      %get3A_236 = arith.index_cast %add3A_234 : i32 to index
      %get3A_237 = tpu.vector_load %arg13[%get3A_235, %get3A_236] {strides = array<i32>} : memref<256x128xf32, #tpu.memory_space<vmem>>, vector<16xf32>,
      %add3A_238 = arith.constant 16 : i32
      %add3A_239 = arith.addi %squeeze3A_225, %add3A_238 : i32
      %get3A_240 = arith.index_cast %add3A_221 : i32 to index
      %get3A_241 = arith.index_cast %add3A_239 : i32 to index
      %get3A_242 = tpu.vector_load %arg14[%get3A_240, %get3A_241] {strides = array<i32>} : memref<256x128xf32, #tpu.memory_space<vmem>>, vector<16xf32>,
      %mul3A_243 = arith.mulf %get3A_237, %get3A_242 : vector<16xf32>
      %add3A_244 = arith.addf %mul3A_232, %mul3A_243 : vector<16xf32>
      %broadcast_in_dim3A_245 = arith.constant true
      %broadcast_in_dim3A_246 = vector.broadcast %broadcast_in_dim3A_245 : i1 to vector<16xi1>
      %masked_cumsum3A_247 = tpu.scan <sum>, %add3A_244 masked %broadcast_in_dim3A_246 : vector<16xf32>, vector<16xi1> -> vector<16xf32>
      %add3A_248 = arith.constant 0 : i32
      %add3A_249 = arith.addi %add3A_248, %add3A_221 : i32
      %broadcast_in_dim3A_250 = vector.broadcast %add3A_249 : i32 to vector<16xi32>
      tpu.vector_store_idx %arg15[%broadcast_in_dim3A_250], %masked_cumsum3A_247 masked %eq3A_2 : memref<512xf32, #tpu.memory_space<vmem>>[vector<16xi32>], vector<16xf32>, vector<16xi1>
      %mul3A_251 = arith.constant 16 : i32
      %mul3A_252 = arith.muli %scan3A_176, %mul3A_251 : i32
      %add3A_253 = arith.constant 2 : i32
      %add3A_254 = arith.addi %mul3A_252, %add3A_253 : i32
      %slice3A_255 = vector.extract_strided_slice %get3A_182 {offsets = [2], sizes = [1], strides = [1]} : vector<16xi32> to vector<1xi32>
      %squeeze3A_256 = vector.extract %slice3A_255[0] : i32 from vector<1xi32>
      %slice3A_257 = vector.extract_strided_slice %get3A_188 {offsets = [2], sizes = [1], strides = [1]} : vector<16xi32> to vector<1xi32>
      %squeeze3A_258 = vector.extract %slice3A_257[0] : i32 from vector<1xi32>
      %get3A_259 = arith.index_cast %add3A_254 : i32 to index
      %get3A_260 = arith.index_cast %squeeze3A_256 : i32 to index
      %get3A_261 = tpu.vector_load %arg13[%get3A_259, %get3A_260] {strides = array<i32>} : memref<256x128xf32, #tpu.memory_space<vmem>>, vector<16xf32>,
      %get3A_262 = arith.index_cast %add3A_254 : i32 to index
      %get3A_263 = arith.index_cast %squeeze3A_258 : i32 to index
      %get3A_264 = tpu.vector_load %arg14[%get3A_262, %get3A_263] {strides = array<i32>} : memref<256x128xf32, #tpu.memory_space<vmem>>, vector<16xf32>,
      %mul3A_265 = arith.mulf %get3A_261, %get3A_264 : vector<16xf32>
      %add3A_266 = arith.constant 16 : i32
      %add3A_267 = arith.addi %squeeze3A_256, %add3A_266 : i32
      %get3A_268 = arith.index_cast %add3A_254 : i32 to index
      %get3A_269 = arith.index_cast %add3A_267 : i32 to index
      %get3A_270 = tpu.vector_load %arg13[%get3A_268, %get3A_269] {strides = array<i32>} : memref<256x128xf32, #tpu.memory_space<vmem>>, vector<16xf32>,
      %add3A_271 = arith.constant 16 : i32
      %add3A_272 = arith.addi %squeeze3A_258, %add3A_271 : i32
      %get3A_273 = arith.index_cast %add3A_254 : i32 to index
      %get3A_274 = arith.index_cast %add3A_272 : i32 to index
      %get3A_275 = tpu.vector_load %arg14[%get3A_273, %get3A_274] {strides = array<i32>} : memref<256x128xf32, #tpu.memory_space<vmem>>, vector<16xf32>,
      %mul3A_276 = arith.mulf %get3A_270, %get3A_275 : vector<16xf32>
      %add3A_277 = arith.addf %mul3A_265, %mul3A_276 : vector<16xf32>
      %broadcast_in_dim3A_278 = arith.constant true
      %broadcast_in_dim3A_279 = vector.broadcast %broadcast_in_dim3A_278 : i1 to vector<16xi1>
      %masked_cumsum3A_280 = tpu.scan <sum>, %add3A_277 masked %broadcast_in_dim3A_279 : vector<16xf32>, vector<16xi1> -> vector<16xf32>
      %add3A_281 = arith.constant 0 : i32
      %add3A_282 = arith.addi %add3A_281, %add3A_254 : i32
      %broadcast_in_dim3A_283 = vector.broadcast %add3A_282 : i32 to vector<16xi32>
      tpu.vector_store_idx %arg15[%broadcast_in_dim3A_283], %masked_cumsum3A_280 masked %eq3A_2 : memref<512xf32, #tpu.memory_space<vmem>>[vector<16xi32>], vector<16xf32>, vector<16xi1>
      %mul3A_284 = arith.constant 16 : i32
      %mul3A_285 = arith.muli %scan3A_176, %mul3A_284 : i32
      %add3A_286 = arith.constant 3 : i32
      %add3A_287 = arith.addi %mul3A_285, %add3A_286 : i32
      %slice3A_288 = vector.extract_strided_slice %get3A_182 {offsets = [3], sizes = [1], strides = [1]} : vector<16xi32> to vector<1xi32>
      %squeeze3A_289 = vector.extract %slice3A_288[0] : i32 from vector<1xi32>
      %slice3A_290 = vector.extract_strided_slice %get3A_188 {offsets = [3], sizes = [1], strides = [1]} : vector<16xi32> to vector<1xi32>
      %squeeze3A_291 = vector.extract %slice3A_290[0] : i32 from vector<1xi32>
      %get3A_292 = arith.index_cast %add3A_287 : i32 to index
      %get3A_293 = arith.index_cast %squeeze3A_289 : i32 to index
      %get3A_294 = tpu.vector_load %arg13[%get3A_292, %get3A_293] {strides = array<i32>} : memref<256x128xf32, #tpu.memory_space<vmem>>, vector<16xf32>,
      %get3A_295 = arith.index_cast %add3A_287 : i32 to index
      %get3A_296 = arith.index_cast %squeeze3A_291 : i32 to index
      %get3A_297 = tpu.vector_load %arg14[%get3A_295, %get3A_296] {strides = array<i32>} : memref<256x128xf32, #tpu.memory_space<vmem>>, vector<16xf32>,
      %mul3A_298 = arith.mulf %get3A_294, %get3A_297 : vector<16xf32>
      %add3A_299 = arith.constant 16 : i32
      %add3A_300 = arith.addi %squeeze3A_289, %add3A_299 : i32
      %get3A_301 = arith.index_cast %add3A_287 : i32 to index
      %get3A_302 = arith.index_cast %add3A_300 : i32 to index
      %get3A_303 = tpu.vector_load %arg13[%get3A_301, %get3A_302] {strides = array<i32>} : memref<256x128xf32, #tpu.memory_space<vmem>>, vector<16xf32>,
      %add3A_304 = arith.constant 16 : i32
      %add3A_305 = arith.addi %squeeze3A_291, %add3A_304 : i32
      %get3A_306 = arith.index_cast %add3A_287 : i32 to index
      %get3A_307 = arith.index_cast %add3A_305 : i32 to index
      %get3A_308 = tpu.vector_load %arg14[%get3A_306, %get3A_307] {strides = array<i32>} : memref<256x128xf32, #tpu.memory_space<vmem>>, vector<16xf32>,
      %mul3A_309 = arith.mulf %get3A_303, %get3A_308 : vector<16xf32>
      %add3A_310 = arith.addf %mul3A_298, %mul3A_309 : vector<16xf32>
      %broadcast_in_dim3A_311 = arith.constant true
      %broadcast_in_dim3A_312 = vector.broadcast %broadcast_in_dim3A_311 : i1 to vector<16xi1>
      %masked_cumsum3A_313 = tpu.scan <sum>, %add3A_310 masked %broadcast_in_dim3A_312 : vector<16xf32>, vector<16xi1> -> vector<16xf32>
      %add3A_314 = arith.constant 0 : i32
      %add3A_315 = arith.addi %add3A_314, %add3A_287 : i32
      %broadcast_in_dim3A_316 = vector.broadcast %add3A_315 : i32 to vector<16xi32>
      tpu.vector_store_idx %arg15[%broadcast_in_dim3A_316], %masked_cumsum3A_313 masked %eq3A_2 : memref<512xf32, #tpu.memory_space<vmem>>[vector<16xi32>], vector<16xf32>, vector<16xi1>
      %mul3A_317 = arith.constant 16 : i32
      %mul3A_318 = arith.muli %scan3A_176, %mul3A_317 : i32
      %add3A_319 = arith.constant 4 : i32
      %add3A_320 = arith.addi %mul3A_318, %add3A_319 : i32
      %slice3A_321 = vector.extract_strided_slice %get3A_182 {offsets = [4], sizes = [1], strides = [1]} : vector<16xi32> to vector<1xi32>
      %squeeze3A_322 = vector.extract %slice3A_321[0] : i32 from vector<1xi32>
      %slice3A_323 = vector.extract_strided_slice %get3A_188 {offsets = [4], sizes = [1], strides = [1]} : vector<16xi32> to vector<1xi32>
      %squeeze3A_324 = vector.extract %slice3A_323[0] : i32 from vector<1xi32>
      %get3A_325 = arith.index_cast %add3A_320 : i32 to index
      %get3A_326 = arith.index_cast %squeeze3A_322 : i32 to index
      %get3A_327 = tpu.vector_load %arg13[%get3A_325, %get3A_326] {strides = array<i32>} : memref<256x128xf32, #tpu.memory_space<vmem>>, vector<16xf32>,
      %get3A_328 = arith.index_cast %add3A_320 : i32 to index
      %get3A_329 = arith.index_cast %squeeze3A_324 : i32 to index
      %get3A_330 = tpu.vector_load %arg14[%get3A_328, %get3A_329] {strides = array<i32>} : memref<256x128xf32, #tpu.memory_space<vmem>>, vector<16xf32>,
      %mul3A_331 = arith.mulf %get3A_327, %get3A_330 : vector<16xf32>
      %add3A_332 = arith.constant 16 : i32
      %add3A_333 = arith.addi %squeeze3A_322, %add3A_332 : i32
      %get3A_334 = arith.index_cast %add3A_320 : i32 to index
      %get3A_335 = arith.index_cast %add3A_333 : i32 to index
      %get3A_336 = tpu.vector_load %arg13[%get3A_334, %get3A_335] {strides = array<i32>} : memref<256x128xf32, #tpu.memory_space<vmem>>, vector<16xf32>,
      %add3A_337 = arith.constant 16 : i32
      %add3A_338 = arith.addi %squeeze3A_324, %add3A_337 : i32
      %get3A_339 = arith.index_cast %add3A_320 : i32 to index
      %get3A_340 = arith.index_cast %add3A_338 : i32 to index
      %get3A_341 = tpu.vector_load %arg14[%get3A_339, %get3A_340] {strides = array<i32>} : memref<256x128xf32, #tpu.memory_space<vmem>>, vector<16xf32>,
      %mul3A_342 = arith.mulf %get3A_336, %get3A_341 : vector<16xf32>
      %add3A_343 = arith.addf %mul3A_331, %mul3A_342 : vector<16xf32>
      %broadcast_in_dim3A_344 = arith.constant true
      %broadcast_in_dim3A_345 = vector.broadcast %broadcast_in_dim3A_344 : i1 to vector<16xi1>
      %masked_cumsum3A_346 = tpu.scan <sum>, %add3A_343 masked %broadcast_in_dim3A_345 : vector<16xf32>, vector<16xi1> -> vector<16xf32>
      %add3A_347 = arith.constant 0 : i32
      %add3A_348 = arith.addi %add3A_347, %add3A_320 : i32
      %broadcast_in_dim3A_349 = vector.broadcast %add3A_348 : i32 to vector<16xi32>
      tpu.vector_store_idx %arg15[%broadcast_in_dim3A_349], %masked_cumsum3A_346 masked %eq3A_2 : memref<512xf32, #tpu.memory_space<vmem>>[vector<16xi32>], vector<16xf32>, vector<16xi1>
      %mul3A_350 = arith.constant 16 : i32
      %mul3A_351 = arith.muli %scan3A_176, %mul3A_350 : i32
      %add3A_352 = arith.constant 5 : i32
      %add3A_353 = arith.addi %mul3A_351, %add3A_352 : i32
      %slice3A_354 = vector.extract_strided_slice %get3A_182 {offsets = [5], sizes = [1], strides = [1]} : vector<16xi32> to vector<1xi32>
      %squeeze3A_355 = vector.extract %slice3A_354[0] : i32 from vector<1xi32>
      %slice3A_356 = vector.extract_strided_slice %get3A_188 {offsets = [5], sizes = [1], strides = [1]} : vector<16xi32> to vector<1xi32>
      %squeeze3A_357 = vector.extract %slice3A_356[0] : i32 from vector<1xi32>
      %get3A_358 = arith.index_cast %add3A_353 : i32 to index
      %get3A_359 = arith.index_cast %squeeze3A_355 : i32 to index
      %get3A_360 = tpu.vector_load %arg13[%get3A_358, %get3A_359] {strides = array<i32>} : memref<256x128xf32, #tpu.memory_space<vmem>>, vector<16xf32>,
      %get3A_361 = arith.index_cast %add3A_353 : i32 to index
      %get3A_362 = arith.index_cast %squeeze3A_357 : i32 to index
      %get3A_363 = tpu.vector_load %arg14[%get3A_361, %get3A_362] {strides = array<i32>} : memref<256x128xf32, #tpu.memory_space<vmem>>, vector<16xf32>,
      %mul3A_364 = arith.mulf %get3A_360, %get3A_363 : vector<16xf32>
      %add3A_365 = arith.constant 16 : i32
      %add3A_366 = arith.addi %squeeze3A_355, %add3A_365 : i32
      %get3A_367 = arith.index_cast %add3A_353 : i32 to index
      %get3A_368 = arith.index_cast %add3A_366 : i32 to index
      %get3A_369 = tpu.vector_load %arg13[%get3A_367, %get3A_368] {strides = array<i32>} : memref<256x128xf32, #tpu.memory_space<vmem>>, vector<16xf32>,
      %add3A_370 = arith.constant 16 : i32
      %add3A_371 = arith.addi %squeeze3A_357, %add3A_370 : i32
      %get3A_372 = arith.index_cast %add3A_353 : i32 to index
      %get3A_373 = arith.index_cast %add3A_371 : i32 to index
      %get3A_374 = tpu.vector_load %arg14[%get3A_372, %get3A_373] {strides = array<i32>} : memref<256x128xf32, #tpu.memory_space<vmem>>, vector<16xf32>,
      %mul3A_375 = arith.mulf %get3A_369, %get3A_374 : vector<16xf32>
      %add3A_376 = arith.addf %mul3A_364, %mul3A_375 : vector<16xf32>
      %broadcast_in_dim3A_377 = arith.constant true
      %broadcast_in_dim3A_378 = vector.broadcast %broadcast_in_dim3A_377 : i1 to vector<16xi1>
      %masked_cumsum3A_379 = tpu.scan <sum>, %add3A_376 masked %broadcast_in_dim3A_378 : vector<16xf32>, vector<16xi1> -> vector<16xf32>
      %add3A_380 = arith.constant 0 : i32
      %add3A_381 = arith.addi %add3A_380, %add3A_353 : i32
      %broadcast_in_dim3A_382 = vector.broadcast %add3A_381 : i32 to vector<16xi32>
      tpu.vector_store_idx %arg15[%broadcast_in_dim3A_382], %masked_cumsum3A_379 masked %eq3A_2 : memref<512xf32, #tpu.memory_space<vmem>>[vector<16xi32>], vector<16xf32>, vector<16xi1>
      %mul3A_383 = arith.constant 16 : i32
      %mul3A_384 = arith.muli %scan3A_176, %mul3A_383 : i32
      %add3A_385 = arith.constant 6 : i32
      %add3A_386 = arith.addi %mul3A_384, %add3A_385 : i32
      %slice3A_387 = vector.extract_strided_slice %get3A_182 {offsets = [6], sizes = [1], strides = [1]} : vector<16xi32> to vector<1xi32>
      %squeeze3A_388 = vector.extract %slice3A_387[0] : i32 from vector<1xi32>
      %slice3A_389 = vector.extract_strided_slice %get3A_188 {offsets = [6], sizes = [1], strides = [1]} : vector<16xi32> to vector<1xi32>
      %squeeze3A_390 = vector.extract %slice3A_389[0] : i32 from vector<1xi32>
      %get3A_391 = arith.index_cast %add3A_386 : i32 to index
      %get3A_392 = arith.index_cast %squeeze3A_388 : i32 to index
      %get3A_393 = tpu.vector_load %arg13[%get3A_391, %get3A_392] {strides = array<i32>} : memref<256x128xf32, #tpu.memory_space<vmem>>, vector<16xf32>,
      %get3A_394 = arith.index_cast %add3A_386 : i32 to index
      %get3A_395 = arith.index_cast %squeeze3A_390 : i32 to index
      %get3A_396 = tpu.vector_load %arg14[%get3A_394, %get3A_395] {strides = array<i32>} : memref<256x128xf32, #tpu.memory_space<vmem>>, vector<16xf32>,
      %mul3A_397 = arith.mulf %get3A_393, %get3A_396 : vector<16xf32>
      %add3A_398 = arith.constant 16 : i32
      %add3A_399 = arith.addi %squeeze3A_388, %add3A_398 : i32
      %get3A_400 = arith.index_cast %add3A_386 : i32 to index
      %get3A_401 = arith.index_cast %add3A_399 : i32 to index
      %get3A_402 = tpu.vector_load %arg13[%get3A_400, %get3A_401] {strides = array<i32>} : memref<256x128xf32, #tpu.memory_space<vmem>>, vector<16xf32>,
      %add3A_403 = arith.constant 16 : i32
      %add3A_404 = arith.addi %squeeze3A_390, %add3A_403 : i32
      %get3A_405 = arith.index_cast %add3A_386 : i32 to index
      %get3A_406 = arith.index_cast %add3A_404 : i32 to index
      %get3A_407 = tpu.vector_load %arg14[%get3A_405, %get3A_406] {strides = array<i32>} : memref<256x128xf32, #tpu.memory_space<vmem>>, vector<16xf32>,
      %mul3A_408 = arith.mulf %get3A_402, %get3A_407 : vector<16xf32>
      %add3A_409 = arith.addf %mul3A_397, %mul3A_408 : vector<16xf32>
      %broadcast_in_dim3A_410 = arith.constant true
      %broadcast_in_dim3A_411 = vector.broadcast %broadcast_in_dim3A_410 : i1 to vector<16xi1>
      %masked_cumsum3A_412 = tpu.scan <sum>, %add3A_409 masked %broadcast_in_dim3A_411 : vector<16xf32>, vector<16xi1> -> vector<16xf32>
      %add3A_413 = arith.constant 0 : i32
      %add3A_414 = arith.addi %add3A_413, %add3A_386 : i32
      %broadcast_in_dim3A_415 = vector.broadcast %add3A_414 : i32 to vector<16xi32>
      tpu.vector_store_idx %arg15[%broadcast_in_dim3A_415], %masked_cumsum3A_412 masked %eq3A_2 : memref<512xf32, #tpu.memory_space<vmem>>[vector<16xi32>], vector<16xf32>, vector<16xi1>
      %mul3A_416 = arith.constant 16 : i32
      %mul3A_417 = arith.muli %scan3A_176, %mul3A_416 : i32
      %add3A_418 = arith.constant 7 : i32
      %add3A_419 = arith.addi %mul3A_417, %add3A_418 : i32
      %slice3A_420 = vector.extract_strided_slice %get3A_182 {offsets = [7], sizes = [1], strides = [1]} : vector<16xi32> to vector<1xi32>
      %squeeze3A_421 = vector.extract %slice3A_420[0] : i32 from vector<1xi32>
      %slice3A_422 = vector.extract_strided_slice %get3A_188 {offsets = [7], sizes = [1], strides = [1]} : vector<16xi32> to vector<1xi32>
      %squeeze3A_423 = vector.extract %slice3A_422[0] : i32 from vector<1xi32>
      %get3A_424 = arith.index_cast %add3A_419 : i32 to index
      %get3A_425 = arith.index_cast %squeeze3A_421 : i32 to index
      %get3A_426 = tpu.vector_load %arg13[%get3A_424, %get3A_425] {strides = array<i32>} : memref<256x128xf32, #tpu.memory_space<vmem>>, vector<16xf32>,
      %get3A_427 = arith.index_cast %add3A_419 : i32 to index
      %get3A_428 = arith.index_cast %squeeze3A_423 : i32 to index
      %get3A_429 = tpu.vector_load %arg14[%get3A_427, %get3A_428] {strides = array<i32>} : memref<256x128xf32, #tpu.memory_space<vmem>>, vector<16xf32>,
      %mul3A_430 = arith.mulf %get3A_426, %get3A_429 : vector<16xf32>
      %add3A_431 = arith.constant 16 : i32
      %add3A_432 = arith.addi %squeeze3A_421, %add3A_431 : i32
      %get3A_433 = arith.index_cast %add3A_419 : i32 to index
      %get3A_434 = arith.index_cast %add3A_432 : i32 to index
      %get3A_435 = tpu.vector_load %arg13[%get3A_433, %get3A_434] {strides = array<i32>} : memref<256x128xf32, #tpu.memory_space<vmem>>, vector<16xf32>,
      %add3A_436 = arith.constant 16 : i32
      %add3A_437 = arith.addi %squeeze3A_423, %add3A_436 : i32
      %get3A_438 = arith.index_cast %add3A_419 : i32 to index
      %get3A_439 = arith.index_cast %add3A_437 : i32 to index
      %get3A_440 = tpu.vector_load %arg14[%get3A_438, %get3A_439] {strides = array<i32>} : memref<256x128xf32, #tpu.memory_space<vmem>>, vector<16xf32>,
      %mul3A_441 = arith.mulf %get3A_435, %get3A_440 : vector<16xf32>
      %add3A_442 = arith.addf %mul3A_430, %mul3A_441 : vector<16xf32>
      %broadcast_in_dim3A_443 = arith.constant true
      %broadcast_in_dim3A_444 = vector.broadcast %broadcast_in_dim3A_443 : i1 to vector<16xi1>
      %masked_cumsum3A_445 = tpu.scan <sum>, %add3A_442 masked %broadcast_in_dim3A_444 : vector<16xf32>, vector<16xi1> -> vector<16xf32>
      %add3A_446 = arith.constant 0 : i32
      %add3A_447 = arith.addi %add3A_446, %add3A_419 : i32
      %broadcast_in_dim3A_448 = vector.broadcast %add3A_447 : i32 to vector<16xi32>
      tpu.vector_store_idx %arg15[%broadcast_in_dim3A_448], %masked_cumsum3A_445 masked %eq3A_2 : memref<512xf32, #tpu.memory_space<vmem>>[vector<16xi32>], vector<16xf32>, vector<16xi1>
      %mul3A_449 = arith.constant 16 : i32
      %mul3A_450 = arith.muli %scan3A_176, %mul3A_449 : i32
      %add3A_451 = arith.constant 8 : i32
      %add3A_452 = arith.addi %mul3A_450, %add3A_451 : i32
      %slice3A_453 = vector.extract_strided_slice %get3A_182 {offsets = [8], sizes = [1], strides = [1]} : vector<16xi32> to vector<1xi32>
      %squeeze3A_454 = vector.extract %slice3A_453[0] : i32 from vector<1xi32>
      %slice3A_455 = vector.extract_strided_slice %get3A_188 {offsets = [8], sizes = [1], strides = [1]} : vector<16xi32> to vector<1xi32>
      %squeeze3A_456 = vector.extract %slice3A_455[0] : i32 from vector<1xi32>
      %get3A_457 = arith.index_cast %add3A_452 : i32 to index
      %get3A_458 = arith.index_cast %squeeze3A_454 : i32 to index
      %get3A_459 = tpu.vector_load %arg13[%get3A_457, %get3A_458] {strides = array<i32>} : memref<256x128xf32, #tpu.memory_space<vmem>>, vector<16xf32>,
      %get3A_460 = arith.index_cast %add3A_452 : i32 to index
      %get3A_461 = arith.index_cast %squeeze3A_456 : i32 to index
      %get3A_462 = tpu.vector_load %arg14[%get3A_460, %get3A_461] {strides = array<i32>} : memref<256x128xf32, #tpu.memory_space<vmem>>, vector<16xf32>,
      %mul3A_463 = arith.mulf %get3A_459, %get3A_462 : vector<16xf32>
      %add3A_464 = arith.constant 16 : i32
      %add3A_465 = arith.addi %squeeze3A_454, %add3A_464 : i32
      %get3A_466 = arith.index_cast %add3A_452 : i32 to index
      %get3A_467 = arith.index_cast %add3A_465 : i32 to index
      %get3A_468 = tpu.vector_load %arg13[%get3A_466, %get3A_467] {strides = array<i32>} : memref<256x128xf32, #tpu.memory_space<vmem>>, vector<16xf32>,
      %add3A_469 = arith.constant 16 : i32
      %add3A_470 = arith.addi %squeeze3A_456, %add3A_469 : i32
      %get3A_471 = arith.index_cast %add3A_452 : i32 to index
      %get3A_472 = arith.index_cast %add3A_470 : i32 to index
      %get3A_473 = tpu.vector_load %arg14[%get3A_471, %get3A_472] {strides = array<i32>} : memref<256x128xf32, #tpu.memory_space<vmem>>, vector<16xf32>,
      %mul3A_474 = arith.mulf %get3A_468, %get3A_473 : vector<16xf32>
      %add3A_475 = arith.addf %mul3A_463, %mul3A_474 : vector<16xf32>
      %broadcast_in_dim3A_476 = arith.constant true
      %broadcast_in_dim3A_477 = vector.broadcast %broadcast_in_dim3A_476 : i1 to vector<16xi1>
      %masked_cumsum3A_478 = tpu.scan <sum>, %add3A_475 masked %broadcast_in_dim3A_477 : vector<16xf32>, vector<16xi1> -> vector<16xf32>
      %add3A_479 = arith.constant 0 : i32
      %add3A_480 = arith.addi %add3A_479, %add3A_452 : i32
      %broadcast_in_dim3A_481 = vector.broadcast %add3A_480 : i32 to vector<16xi32>
      tpu.vector_store_idx %arg15[%broadcast_in_dim3A_481], %masked_cumsum3A_478 masked %eq3A_2 : memref<512xf32, #tpu.memory_space<vmem>>[vector<16xi32>], vector<16xf32>, vector<16xi1>
      %mul3A_482 = arith.constant 16 : i32
      %mul3A_483 = arith.muli %scan3A_176, %mul3A_482 : i32
      %add3A_484 = arith.constant 9 : i32
      %add3A_485 = arith.addi %mul3A_483, %add3A_484 : i32
      %slice3A_486 = vector.extract_strided_slice %get3A_182 {offsets = [9], sizes = [1], strides = [1]} : vector<16xi32> to vector<1xi32>
      %squeeze3A_487 = vector.extract %slice3A_486[0] : i32 from vector<1xi32>
      %slice3A_488 = vector.extract_strided_slice %get3A_188 {offsets = [9], sizes = [1], strides = [1]} : vector<16xi32> to vector<1xi32>
      %squeeze3A_489 = vector.extract %slice3A_488[0] : i32 from vector<1xi32>
      %get3A_490 = arith.index_cast %add3A_485 : i32 to index
      %get3A_491 = arith.index_cast %squeeze3A_487 : i32 to index
      %get3A_492 = tpu.vector_load %arg13[%get3A_490, %get3A_491] {strides = array<i32>} : memref<256x128xf32, #tpu.memory_space<vmem>>, vector<16xf32>,
      %get3A_493 = arith.index_cast %add3A_485 : i32 to index
      %get3A_494 = arith.index_cast %squeeze3A_489 : i32 to index
      %get3A_495 = tpu.vector_load %arg14[%get3A_493, %get3A_494] {strides = array<i32>} : memref<256x128xf32, #tpu.memory_space<vmem>>, vector<16xf32>,
      %mul3A_496 = arith.mulf %get3A_492, %get3A_495 : vector<16xf32>
      %add3A_497 = arith.constant 16 : i32
      %add3A_498 = arith.addi %squeeze3A_487, %add3A_497 : i32
      %get3A_499 = arith.index_cast %add3A_485 : i32 to index
      %get3A_500 = arith.index_cast %add3A_498 : i32 to index
      %get3A_501 = tpu.vector_load %arg13[%get3A_499, %get3A_500] {strides = array<i32>} : memref<256x128xf32, #tpu.memory_space<vmem>>, vector<16xf32>,
      %add3A_502 = arith.constant 16 : i32
      %add3A_503 = arith.addi %squeeze3A_489, %add3A_502 : i32
      %get3A_504 = arith.index_cast %add3A_485 : i32 to index
      %get3A_505 = arith.index_cast %add3A_503 : i32 to index
      %get3A_506 = tpu.vector_load %arg14[%get3A_504, %get3A_505] {strides = array<i32>} : memref<256x128xf32, #tpu.memory_space<vmem>>, vector<16xf32>,
      %mul3A_507 = arith.mulf %get3A_501, %get3A_506 : vector<16xf32>
      %add3A_508 = arith.addf %mul3A_496, %mul3A_507 : vector<16xf32>
      %broadcast_in_dim3A_509 = arith.constant true
      %broadcast_in_dim3A_510 = vector.broadcast %broadcast_in_dim3A_509 : i1 to vector<16xi1>
      %masked_cumsum3A_511 = tpu.scan <sum>, %add3A_508 masked %broadcast_in_dim3A_510 : vector<16xf32>, vector<16xi1> -> vector<16xf32>
      %add3A_512 = arith.constant 0 : i32
      %add3A_513 = arith.addi %add3A_512, %add3A_485 : i32
      %broadcast_in_dim3A_514 = vector.broadcast %add3A_513 : i32 to vector<16xi32>
      tpu.vector_store_idx %arg15[%broadcast_in_dim3A_514], %masked_cumsum3A_511 masked %eq3A_2 : memref<512xf32, #tpu.memory_space<vmem>>[vector<16xi32>], vector<16xf32>, vector<16xi1>
      %mul3A_515 = arith.constant 16 : i32
      %mul3A_516 = arith.muli %scan3A_176, %mul3A_515 : i32
      %add3A_517 = arith.constant 10 : i32
      %add3A_518 = arith.addi %mul3A_516, %add3A_517 : i32
      %slice3A_519 = vector.extract_strided_slice %get3A_182 {offsets = [10], sizes = [1], strides = [1]} : vector<16xi32> to vector<1xi32>
      %squeeze3A_520 = vector.extract %slice3A_519[0] : i32 from vector<1xi32>
      %slice3A_521 = vector.extract_strided_slice %get3A_188 {offsets = [10], sizes = [1], strides = [1]} : vector<16xi32> to vector<1xi32>
      %squeeze3A_522 = vector.extract %slice3A_521[0] : i32 from vector<1xi32>
      %get3A_523 = arith.index_cast %add3A_518 : i32 to index
      %get3A_524 = arith.index_cast %squeeze3A_520 : i32 to index
      %get3A_525 = tpu.vector_load %arg13[%get3A_523, %get3A_524] {strides = array<i32>} : memref<256x128xf32, #tpu.memory_space<vmem>>, vector<16xf32>,
      %get3A_526 = arith.index_cast %add3A_518 : i32 to index
      %get3A_527 = arith.index_cast %squeeze3A_522 : i32 to index
      %get3A_528 = tpu.vector_load %arg14[%get3A_526, %get3A_527] {strides = array<i32>} : memref<256x128xf32, #tpu.memory_space<vmem>>, vector<16xf32>,
      %mul3A_529 = arith.mulf %get3A_525, %get3A_528 : vector<16xf32>
      %add3A_530 = arith.constant 16 : i32
      %add3A_531 = arith.addi %squeeze3A_520, %add3A_530 : i32
      %get3A_532 = arith.index_cast %add3A_518 : i32 to index
      %get3A_533 = arith.index_cast %add3A_531 : i32 to index
      %get3A_534 = tpu.vector_load %arg13[%get3A_532, %get3A_533] {strides = array<i32>} : memref<256x128xf32, #tpu.memory_space<vmem>>, vector<16xf32>,
      %add3A_535 = arith.constant 16 : i32
      %add3A_536 = arith.addi %squeeze3A_522, %add3A_535 : i32
      %get3A_537 = arith.index_cast %add3A_518 : i32 to index
      %get3A_538 = arith.index_cast %add3A_536 : i32 to index
      %get3A_539 = tpu.vector_load %arg14[%get3A_537, %get3A_538] {strides = array<i32>} : memref<256x128xf32, #tpu.memory_space<vmem>>, vector<16xf32>,
      %mul3A_540 = arith.mulf %get3A_534, %get3A_539 : vector<16xf32>
      %add3A_541 = arith.addf %mul3A_529, %mul3A_540 : vector<16xf32>
      %broadcast_in_dim3A_542 = arith.constant true
      %broadcast_in_dim3A_543 = vector.broadcast %broadcast_in_dim3A_542 : i1 to vector<16xi1>
      %masked_cumsum3A_544 = tpu.scan <sum>, %add3A_541 masked %broadcast_in_dim3A_543 : vector<16xf32>, vector<16xi1> -> vector<16xf32>
      %add3A_545 = arith.constant 0 : i32
      %add3A_546 = arith.addi %add3A_545, %add3A_518 : i32
      %broadcast_in_dim3A_547 = vector.broadcast %add3A_546 : i32 to vector<16xi32>
      tpu.vector_store_idx %arg15[%broadcast_in_dim3A_547], %masked_cumsum3A_544 masked %eq3A_2 : memref<512xf32, #tpu.memory_space<vmem>>[vector<16xi32>], vector<16xf32>, vector<16xi1>
      %mul3A_548 = arith.constant 16 : i32
      %mul3A_549 = arith.muli %scan3A_176, %mul3A_548 : i32
      %add3A_550 = arith.constant 11 : i32
      %add3A_551 = arith.addi %mul3A_549, %add3A_550 : i32
      %slice3A_552 = vector.extract_strided_slice %get3A_182 {offsets = [11], sizes = [1], strides = [1]} : vector<16xi32> to vector<1xi32>
      %squeeze3A_553 = vector.extract %slice3A_552[0] : i32 from vector<1xi32>
      %slice3A_554 = vector.extract_strided_slice %get3A_188 {offsets = [11], sizes = [1], strides = [1]} : vector<16xi32> to vector<1xi32>
      %squeeze3A_555 = vector.extract %slice3A_554[0] : i32 from vector<1xi32>
      %get3A_556 = arith.index_cast %add3A_551 : i32 to index
      %get3A_557 = arith.index_cast %squeeze3A_553 : i32 to index
      %get3A_558 = tpu.vector_load %arg13[%get3A_556, %get3A_557] {strides = array<i32>} : memref<256x128xf32, #tpu.memory_space<vmem>>, vector<16xf32>,
      %get3A_559 = arith.index_cast %add3A_551 : i32 to index
      %get3A_560 = arith.index_cast %squeeze3A_555 : i32 to index
      %get3A_561 = tpu.vector_load %arg14[%get3A_559, %get3A_560] {strides = array<i32>} : memref<256x128xf32, #tpu.memory_space<vmem>>, vector<16xf32>,
      %mul3A_562 = arith.mulf %get3A_558, %get3A_561 : vector<16xf32>
      %add3A_563 = arith.constant 16 : i32
      %add3A_564 = arith.addi %squeeze3A_553, %add3A_563 : i32
      %get3A_565 = arith.index_cast %add3A_551 : i32 to index
      %get3A_566 = arith.index_cast %add3A_564 : i32 to index
      %get3A_567 = tpu.vector_load %arg13[%get3A_565, %get3A_566] {strides = array<i32>} : memref<256x128xf32, #tpu.memory_space<vmem>>, vector<16xf32>,
      %add3A_568 = arith.constant 16 : i32
      %add3A_569 = arith.addi %squeeze3A_555, %add3A_568 : i32
      %get3A_570 = arith.index_cast %add3A_551 : i32 to index
      %get3A_571 = arith.index_cast %add3A_569 : i32 to index
      %get3A_572 = tpu.vector_load %arg14[%get3A_570, %get3A_571] {strides = array<i32>} : memref<256x128xf32, #tpu.memory_space<vmem>>, vector<16xf32>,
      %mul3A_573 = arith.mulf %get3A_567, %get3A_572 : vector<16xf32>
      %add3A_574 = arith.addf %mul3A_562, %mul3A_573 : vector<16xf32>
      %broadcast_in_dim3A_575 = arith.constant true
      %broadcast_in_dim3A_576 = vector.broadcast %broadcast_in_dim3A_575 : i1 to vector<16xi1>
      %masked_cumsum3A_577 = tpu.scan <sum>, %add3A_574 masked %broadcast_in_dim3A_576 : vector<16xf32>, vector<16xi1> -> vector<16xf32>
      %add3A_578 = arith.constant 0 : i32
      %add3A_579 = arith.addi %add3A_578, %add3A_551 : i32
      %broadcast_in_dim3A_580 = vector.broadcast %add3A_579 : i32 to vector<16xi32>
      tpu.vector_store_idx %arg15[%broadcast_in_dim3A_580], %masked_cumsum3A_577 masked %eq3A_2 : memref<512xf32, #tpu.memory_space<vmem>>[vector<16xi32>], vector<16xf32>, vector<16xi1>
      %mul3A_581 = arith.constant 16 : i32
      %mul3A_582 = arith.muli %scan3A_176, %mul3A_581 : i32
      %add3A_583 = arith.constant 12 : i32
      %add3A_584 = arith.addi %mul3A_582, %add3A_583 : i32
      %slice3A_585 = vector.extract_strided_slice %get3A_182 {offsets = [12], sizes = [1], strides = [1]} : vector<16xi32> to vector<1xi32>
      %squeeze3A_586 = vector.extract %slice3A_585[0] : i32 from vector<1xi32>
      %slice3A_587 = vector.extract_strided_slice %get3A_188 {offsets = [12], sizes = [1], strides = [1]} : vector<16xi32> to vector<1xi32>
      %squeeze3A_588 = vector.extract %slice3A_587[0] : i32 from vector<1xi32>
      %get3A_589 = arith.index_cast %add3A_584 : i32 to index
      %get3A_590 = arith.index_cast %squeeze3A_586 : i32 to index
      %get3A_591 = tpu.vector_load %arg13[%get3A_589, %get3A_590] {strides = array<i32>} : memref<256x128xf32, #tpu.memory_space<vmem>>, vector<16xf32>,
      %get3A_592 = arith.index_cast %add3A_584 : i32 to index
      %get3A_593 = arith.index_cast %squeeze3A_588 : i32 to index
      %get3A_594 = tpu.vector_load %arg14[%get3A_592, %get3A_593] {strides = array<i32>} : memref<256x128xf32, #tpu.memory_space<vmem>>, vector<16xf32>,
      %mul3A_595 = arith.mulf %get3A_591, %get3A_594 : vector<16xf32>
      %add3A_596 = arith.constant 16 : i32
      %add3A_597 = arith.addi %squeeze3A_586, %add3A_596 : i32
      %get3A_598 = arith.index_cast %add3A_584 : i32 to index
      %get3A_599 = arith.index_cast %add3A_597 : i32 to index
      %get3A_600 = tpu.vector_load %arg13[%get3A_598, %get3A_599] {strides = array<i32>} : memref<256x128xf32, #tpu.memory_space<vmem>>, vector<16xf32>,
      %add3A_601 = arith.constant 16 : i32
      %add3A_602 = arith.addi %squeeze3A_588, %add3A_601 : i32
      %get3A_603 = arith.index_cast %add3A_584 : i32 to index
      %get3A_604 = arith.index_cast %add3A_602 : i32 to index
      %get3A_605 = tpu.vector_load %arg14[%get3A_603, %get3A_604] {strides = array<i32>} : memref<256x128xf32, #tpu.memory_space<vmem>>, vector<16xf32>,
      %mul3A_606 = arith.mulf %get3A_600, %get3A_605 : vector<16xf32>
      %add3A_607 = arith.addf %mul3A_595, %mul3A_606 : vector<16xf32>
      %broadcast_in_dim3A_608 = arith.constant true
      %broadcast_in_dim3A_609 = vector.broadcast %broadcast_in_dim3A_608 : i1 to vector<16xi1>
      %masked_cumsum3A_610 = tpu.scan <sum>, %add3A_607 masked %broadcast_in_dim3A_609 : vector<16xf32>, vector<16xi1> -> vector<16xf32>
      %add3A_611 = arith.constant 0 : i32
      %add3A_612 = arith.addi %add3A_611, %add3A_584 : i32
      %broadcast_in_dim3A_613 = vector.broadcast %add3A_612 : i32 to vector<16xi32>
      tpu.vector_store_idx %arg15[%broadcast_in_dim3A_613], %masked_cumsum3A_610 masked %eq3A_2 : memref<512xf32, #tpu.memory_space<vmem>>[vector<16xi32>], vector<16xf32>, vector<16xi1>
      %mul3A_614 = arith.constant 16 : i32
      %mul3A_615 = arith.muli %scan3A_176, %mul3A_614 : i32
      %add3A_616 = arith.constant 13 : i32
      %add3A_617 = arith.addi %mul3A_615, %add3A_616 : i32
      %slice3A_618 = vector.extract_strided_slice %get3A_182 {offsets = [13], sizes = [1], strides = [1]} : vector<16xi32> to vector<1xi32>
      %squeeze3A_619 = vector.extract %slice3A_618[0] : i32 from vector<1xi32>
      %slice3A_620 = vector.extract_strided_slice %get3A_188 {offsets = [13], sizes = [1], strides = [1]} : vector<16xi32> to vector<1xi32>
      %squeeze3A_621 = vector.extract %slice3A_620[0] : i32 from vector<1xi32>
      %get3A_622 = arith.index_cast %add3A_617 : i32 to index
      %get3A_623 = arith.index_cast %squeeze3A_619 : i32 to index
      %get3A_624 = tpu.vector_load %arg13[%get3A_622, %get3A_623] {strides = array<i32>} : memref<256x128xf32, #tpu.memory_space<vmem>>, vector<16xf32>,
      %get3A_625 = arith.index_cast %add3A_617 : i32 to index
      %get3A_626 = arith.index_cast %squeeze3A_621 : i32 to index
      %get3A_627 = tpu.vector_load %arg14[%get3A_625, %get3A_626] {strides = array<i32>} : memref<256x128xf32, #tpu.memory_space<vmem>>, vector<16xf32>,
      %mul3A_628 = arith.mulf %get3A_624, %get3A_627 : vector<16xf32>
      %add3A_629 = arith.constant 16 : i32
      %add3A_630 = arith.addi %squeeze3A_619, %add3A_629 : i32
      %get3A_631 = arith.index_cast %add3A_617 : i32 to index
      %get3A_632 = arith.index_cast %add3A_630 : i32 to index
      %get3A_633 = tpu.vector_load %arg13[%get3A_631, %get3A_632] {strides = array<i32>} : memref<256x128xf32, #tpu.memory_space<vmem>>, vector<16xf32>,
      %add3A_634 = arith.constant 16 : i32
      %add3A_635 = arith.addi %squeeze3A_621, %add3A_634 : i32
      %get3A_636 = arith.index_cast %add3A_617 : i32 to index
      %get3A_637 = arith.index_cast %add3A_635 : i32 to index
      %get3A_638 = tpu.vector_load %arg14[%get3A_636, %get3A_637] {strides = array<i32>} : memref<256x128xf32, #tpu.memory_space<vmem>>, vector<16xf32>,
      %mul3A_639 = arith.mulf %get3A_633, %get3A_638 : vector<16xf32>
      %add3A_640 = arith.addf %mul3A_628, %mul3A_639 : vector<16xf32>
      %broadcast_in_dim3A_641 = arith.constant true
      %broadcast_in_dim3A_642 = vector.broadcast %broadcast_in_dim3A_641 : i1 to vector<16xi1>
      %masked_cumsum3A_643 = tpu.scan <sum>, %add3A_640 masked %broadcast_in_dim3A_642 : vector<16xf32>, vector<16xi1> -> vector<16xf32>
      %add3A_644 = arith.constant 0 : i32
      %add3A_645 = arith.addi %add3A_644, %add3A_617 : i32
      %broadcast_in_dim3A_646 = vector.broadcast %add3A_645 : i32 to vector<16xi32>
      tpu.vector_store_idx %arg15[%broadcast_in_dim3A_646], %masked_cumsum3A_643 masked %eq3A_2 : memref<512xf32, #tpu.memory_space<vmem>>[vector<16xi32>], vector<16xf32>, vector<16xi1>
      %mul3A_647 = arith.constant 16 : i32
      %mul3A_648 = arith.muli %scan3A_176, %mul3A_647 : i32
      %add3A_649 = arith.constant 14 : i32
      %add3A_650 = arith.addi %mul3A_648, %add3A_649 : i32
      %slice3A_651 = vector.extract_strided_slice %get3A_182 {offsets = [14], sizes = [1], strides = [1]} : vector<16xi32> to vector<1xi32>
      %squeeze3A_652 = vector.extract %slice3A_651[0] : i32 from vector<1xi32>
      %slice3A_653 = vector.extract_strided_slice %get3A_188 {offsets = [14], sizes = [1], strides = [1]} : vector<16xi32> to vector<1xi32>
      %squeeze3A_654 = vector.extract %slice3A_653[0] : i32 from vector<1xi32>
      %get3A_655 = arith.index_cast %add3A_650 : i32 to index
      %get3A_656 = arith.index_cast %squeeze3A_652 : i32 to index
      %get3A_657 = tpu.vector_load %arg13[%get3A_655, %get3A_656] {strides = array<i32>} : memref<256x128xf32, #tpu.memory_space<vmem>>, vector<16xf32>,
      %get3A_658 = arith.index_cast %add3A_650 : i32 to index
      %get3A_659 = arith.index_cast %squeeze3A_654 : i32 to index
      %get3A_660 = tpu.vector_load %arg14[%get3A_658, %get3A_659] {strides = array<i32>} : memref<256x128xf32, #tpu.memory_space<vmem>>, vector<16xf32>,
      %mul3A_661 = arith.mulf %get3A_657, %get3A_660 : vector<16xf32>
      %add3A_662 = arith.constant 16 : i32
      %add3A_663 = arith.addi %squeeze3A_652, %add3A_662 : i32
      %get3A_664 = arith.index_cast %add3A_650 : i32 to index
      %get3A_665 = arith.index_cast %add3A_663 : i32 to index
      %get3A_666 = tpu.vector_load %arg13[%get3A_664, %get3A_665] {strides = array<i32>} : memref<256x128xf32, #tpu.memory_space<vmem>>, vector<16xf32>,
      %add3A_667 = arith.constant 16 : i32
      %add3A_668 = arith.addi %squeeze3A_654, %add3A_667 : i32
      %get3A_669 = arith.index_cast %add3A_650 : i32 to index
      %get3A_670 = arith.index_cast %add3A_668 : i32 to index
      %get3A_671 = tpu.vector_load %arg14[%get3A_669, %get3A_670] {strides = array<i32>} : memref<256x128xf32, #tpu.memory_space<vmem>>, vector<16xf32>,
      %mul3A_672 = arith.mulf %get3A_666, %get3A_671 : vector<16xf32>
      %add3A_673 = arith.addf %mul3A_661, %mul3A_672 : vector<16xf32>
      %broadcast_in_dim3A_674 = arith.constant true
      %broadcast_in_dim3A_675 = vector.broadcast %broadcast_in_dim3A_674 : i1 to vector<16xi1>
      %masked_cumsum3A_676 = tpu.scan <sum>, %add3A_673 masked %broadcast_in_dim3A_675 : vector<16xf32>, vector<16xi1> -> vector<16xf32>
      %add3A_677 = arith.constant 0 : i32
      %add3A_678 = arith.addi %add3A_677, %add3A_650 : i32
      %broadcast_in_dim3A_679 = vector.broadcast %add3A_678 : i32 to vector<16xi32>
      tpu.vector_store_idx %arg15[%broadcast_in_dim3A_679], %masked_cumsum3A_676 masked %eq3A_2 : memref<512xf32, #tpu.memory_space<vmem>>[vector<16xi32>], vector<16xf32>, vector<16xi1>
      %mul3A_680 = arith.constant 16 : i32
      %mul3A_681 = arith.muli %scan3A_176, %mul3A_680 : i32
      %add3A_682 = arith.constant 15 : i32
      %add3A_683 = arith.addi %mul3A_681, %add3A_682 : i32
      %slice3A_684 = vector.extract_strided_slice %get3A_182 {offsets = [15], sizes = [1], strides = [1]} : vector<16xi32> to vector<1xi32>
      %squeeze3A_685 = vector.extract %slice3A_684[0] : i32 from vector<1xi32>
      %slice3A_686 = vector.extract_strided_slice %get3A_188 {offsets = [15], sizes = [1], strides = [1]} : vector<16xi32> to vector<1xi32>
      %squeeze3A_687 = vector.extract %slice3A_686[0] : i32 from vector<1xi32>
      %get3A_688 = arith.index_cast %add3A_683 : i32 to index
      %get3A_689 = arith.index_cast %squeeze3A_685 : i32 to index
      %get3A_690 = tpu.vector_load %arg13[%get3A_688, %get3A_689] {strides = array<i32>} : memref<256x128xf32, #tpu.memory_space<vmem>>, vector<16xf32>,
      %get3A_691 = arith.index_cast %add3A_683 : i32 to index
      %get3A_692 = arith.index_cast %squeeze3A_687 : i32 to index
      %get3A_693 = tpu.vector_load %arg14[%get3A_691, %get3A_692] {strides = array<i32>} : memref<256x128xf32, #tpu.memory_space<vmem>>, vector<16xf32>,
      %mul3A_694 = arith.mulf %get3A_690, %get3A_693 : vector<16xf32>
      %add3A_695 = arith.constant 16 : i32
      %add3A_696 = arith.addi %squeeze3A_685, %add3A_695 : i32
      %get3A_697 = arith.index_cast %add3A_683 : i32 to index
      %get3A_698 = arith.index_cast %add3A_696 : i32 to index
      %get3A_699 = tpu.vector_load %arg13[%get3A_697, %get3A_698] {strides = array<i32>} : memref<256x128xf32, #tpu.memory_space<vmem>>, vector<16xf32>,
      %add3A_700 = arith.constant 16 : i32
      %add3A_701 = arith.addi %squeeze3A_687, %add3A_700 : i32
      %get3A_702 = arith.index_cast %add3A_683 : i32 to index
      %get3A_703 = arith.index_cast %add3A_701 : i32 to index
      %get3A_704 = tpu.vector_load %arg14[%get3A_702, %get3A_703] {strides = array<i32>} : memref<256x128xf32, #tpu.memory_space<vmem>>, vector<16xf32>,
      %mul3A_705 = arith.mulf %get3A_699, %get3A_704 : vector<16xf32>
      %add3A_706 = arith.addf %mul3A_694, %mul3A_705 : vector<16xf32>
      %broadcast_in_dim3A_707 = arith.constant true
      %broadcast_in_dim3A_708 = vector.broadcast %broadcast_in_dim3A_707 : i1 to vector<16xi1>
      %masked_cumsum3A_709 = tpu.scan <sum>, %add3A_706 masked %broadcast_in_dim3A_708 : vector<16xf32>, vector<16xi1> -> vector<16xf32>
      %add3A_710 = arith.constant 0 : i32
      %add3A_711 = arith.addi %add3A_710, %add3A_683 : i32
      %broadcast_in_dim3A_712 = vector.broadcast %add3A_711 : i32 to vector<16xi32>
      tpu.vector_store_idx %arg15[%broadcast_in_dim3A_712], %masked_cumsum3A_709 masked %eq3A_2 : memref<512xf32, #tpu.memory_space<vmem>>[vector<16xi32>], vector<16xf32>, vector<16xi1>
      %scan3A_713 = arith.constant 0 : i32
      scf.yield %scan3A_713 : i32
    }
    %scan3A_86 = arith.constant 16 : i32
    %dma_start3A_87 = arith.constant 2 : i32
    %dma_start3A_88 = arith.constant 0 : i32
    %dma_start3A_89 = arith.constant 0 : i32
    %dma_start3A_90 = tpu.memref_slice %arg13[%dma_start3A_88, %dma_start3A_89] : memref<256x128xf32, #tpu.memory_space<vmem>> -> memref<128x128xf32, #tpu.memory_space<vmem>>
    %dma_start3A_91 = arith.constant 0 : i32
    %dma_start3A_92 = tpu.memref_slice %arg9[%dma_start3A_87, %dma_start3A_91] : memref<4x128xi32, #tpu.memory_space<vmem>> -> memref<1x128xi32, #tpu.memory_space<vmem>>
    %dma_start3A_93 = tpu.memref_squeeze %dma_start3A_92 : memref<1x128xi32, #tpu.memory_space<vmem>> -> memref<128xi32, #tpu.memory_space<vmem>>
    %dma_start3A_94 = arith.constant 0 : i32
    %dma_start3A_95 = arith.constant 0 : i32
    %dma_start3A_96 = tpu.memref_slice %arg6[%dma_start3A_94, %dma_start3A_95] : memref<250000x128xf32, #tpu.memory_space<hbm>> -> memref<250000x128xf32, #tpu.memory_space<hbm>>
    tpu.enqueue_indirect_dma source(%dma_start3A_96 : memref<250000x128xf32, #tpu.memory_space<hbm>>) target(%dma_start3A_90 : memref<128x128xf32, #tpu.memory_space<vmem>>) offsets(%dma_start3A_93 : memref<128xi32, #tpu.memory_space<vmem>>) semaphore(%arg16 : memref<!tpu.dma_semaphore, #tpu.memory_space<semaphore_mem>>)
    %dma_start3A_97 = arith.constant 2 : i32
    %dma_start3A_98 = arith.constant 0 : i32
    %dma_start3A_99 = arith.constant 0 : i32
    %dma_start3A_100 = tpu.memref_slice %arg14[%dma_start3A_98, %dma_start3A_99] : memref<256x128xf32, #tpu.memory_space<vmem>> -> memref<128x128xf32, #tpu.memory_space<vmem>>
    %dma_start3A_101 = arith.constant 0 : i32
    %dma_start3A_102 = tpu.memref_slice %arg10[%dma_start3A_97, %dma_start3A_101] : memref<4x128xi32, #tpu.memory_space<vmem>> -> memref<1x128xi32, #tpu.memory_space<vmem>>
    %dma_start3A_103 = tpu.memref_squeeze %dma_start3A_102 : memref<1x128xi32, #tpu.memory_space<vmem>> -> memref<128xi32, #tpu.memory_space<vmem>>
    %dma_start3A_104 = arith.constant 0 : i32
    %dma_start3A_105 = arith.constant 0 : i32
    %dma_start3A_106 = tpu.memref_slice %arg7[%dma_start3A_104, %dma_start3A_105] : memref<250000x128xf32, #tpu.memory_space<hbm>> -> memref<250000x128xf32, #tpu.memory_space<hbm>>
    tpu.enqueue_indirect_dma source(%dma_start3A_106 : memref<250000x128xf32, #tpu.memory_space<hbm>>) target(%dma_start3A_100 : memref<128x128xf32, #tpu.memory_space<vmem>>) offsets(%dma_start3A_103 : memref<128xi32, #tpu.memory_space<vmem>>) semaphore(%arg16 : memref<!tpu.dma_semaphore, #tpu.memory_space<semaphore_mem>>)
    %dma_start3A_107 = arith.constant 3 : i32
    %dma_start3A_108 = arith.constant 128 : i32
    %dma_start3A_109 = arith.constant 0 : i32
    %dma_start3A_110 = tpu.memref_slice %arg13[%dma_start3A_108, %dma_start3A_109] : memref<256x128xf32, #tpu.memory_space<vmem>> -> memref<128x128xf32, #tpu.memory_space<vmem>>
    %dma_start3A_111 = arith.constant 0 : i32
    %dma_start3A_112 = tpu.memref_slice %arg9[%dma_start3A_107, %dma_start3A_111] : memref<4x128xi32, #tpu.memory_space<vmem>> -> memref<1x128xi32, #tpu.memory_space<vmem>>
    %dma_start3A_113 = tpu.memref_squeeze %dma_start3A_112 : memref<1x128xi32, #tpu.memory_space<vmem>> -> memref<128xi32, #tpu.memory_space<vmem>>
    %dma_start3A_114 = arith.constant 0 : i32
    %dma_start3A_115 = arith.constant 0 : i32
    %dma_start3A_116 = tpu.memref_slice %arg6[%dma_start3A_114, %dma_start3A_115] : memref<250000x128xf32, #tpu.memory_space<hbm>> -> memref<250000x128xf32, #tpu.memory_space<hbm>>
    tpu.enqueue_indirect_dma source(%dma_start3A_116 : memref<250000x128xf32, #tpu.memory_space<hbm>>) target(%dma_start3A_110 : memref<128x128xf32, #tpu.memory_space<vmem>>) offsets(%dma_start3A_113 : memref<128xi32, #tpu.memory_space<vmem>>) semaphore(%arg16 : memref<!tpu.dma_semaphore, #tpu.memory_space<semaphore_mem>>)
    %dma_start3A_117 = arith.constant 3 : i32
    %dma_start3A_118 = arith.constant 128 : i32
    %dma_start3A_119 = arith.constant 0 : i32
    %dma_start3A_120 = tpu.memref_slice %arg14[%dma_start3A_118, %dma_start3A_119] : memref<256x128xf32, #tpu.memory_space<vmem>> -> memref<128x128xf32, #tpu.memory_space<vmem>>
    %dma_start3A_121 = arith.constant 0 : i32
    %dma_start3A_122 = tpu.memref_slice %arg10[%dma_start3A_117, %dma_start3A_121] : memref<4x128xi32, #tpu.memory_space<vmem>> -> memref<1x128xi32, #tpu.memory_space<vmem>>
    %dma_start3A_123 = tpu.memref_squeeze %dma_start3A_122 : memref<1x128xi32, #tpu.memory_space<vmem>> -> memref<128xi32, #tpu.memory_space<vmem>>
    %dma_start3A_124 = arith.constant 0 : i32
    %dma_start3A_125 = arith.constant 0 : i32
    %dma_start3A_126 = tpu.memref_slice %arg7[%dma_start3A_124, %dma_start3A_125] : memref<250000x128xf32, #tpu.memory_space<hbm>> -> memref<250000x128xf32, #tpu.memory_space<hbm>>
    tpu.enqueue_indirect_dma source(%dma_start3A_126 : memref<250000x128xf32, #tpu.memory_space<hbm>>) target(%dma_start3A_120 : memref<128x128xf32, #tpu.memory_space<vmem>>) offsets(%dma_start3A_123 : memref<128xi32, #tpu.memory_space<vmem>>) semaphore(%arg16 : memref<!tpu.dma_semaphore, #tpu.memory_space<semaphore_mem>>)
    %dma_wait3A_127 = arith.constant 2 : i32
    %dma_wait3A_128 = arith.constant 0 : i32
    %dma_wait3A_129 = arith.constant 0 : i32
    %dma_wait3A_130 = tpu.memref_slice %arg13[%dma_wait3A_128, %dma_wait3A_129] : memref<256x128xf32, #tpu.memory_space<vmem>> -> memref<128x128xf32, #tpu.memory_space<vmem>>
    %dma_wait3A_131 = arith.constant 0 : i32
    %dma_wait3A_132 = tpu.memref_slice %arg9[%dma_wait3A_127, %dma_wait3A_131] : memref<4x128xi32, #tpu.memory_space<vmem>> -> memref<1x128xi32, #tpu.memory_space<vmem>>
    %dma_wait3A_133 = tpu.memref_squeeze %dma_wait3A_132 : memref<1x128xi32, #tpu.memory_space<vmem>> -> memref<128xi32, #tpu.memory_space<vmem>>
    %dma_wait3A_134 = arith.constant 0 : i32
    %dma_wait3A_135 = arith.constant 0 : i32
    %dma_wait3A_136 = tpu.memref_slice %arg6[%dma_wait3A_134, %dma_wait3A_135] : memref<250000x128xf32, #tpu.memory_space<hbm>> -> memref<250000x128xf32, #tpu.memory_space<hbm>>
    tpu.wait_indirect_dma semaphore(%arg16 : memref<!tpu.dma_semaphore, #tpu.memory_space<semaphore_mem>>) src(%dma_wait3A_136 : memref<250000x128xf32, #tpu.memory_space<hbm>>) dst(%dma_wait3A_130 : memref<128x128xf32, #tpu.memory_space<vmem>>)
    %dma_wait3A_137 = arith.constant 2 : i32
    %dma_wait3A_138 = arith.constant 0 : i32
    %dma_wait3A_139 = arith.constant 0 : i32
    %dma_wait3A_140 = tpu.memref_slice %arg14[%dma_wait3A_138, %dma_wait3A_139] : memref<256x128xf32, #tpu.memory_space<vmem>> -> memref<128x128xf32, #tpu.memory_space<vmem>>
    %dma_wait3A_141 = arith.constant 0 : i32
    %dma_wait3A_142 = tpu.memref_slice %arg10[%dma_wait3A_137, %dma_wait3A_141] : memref<4x128xi32, #tpu.memory_space<vmem>> -> memref<1x128xi32, #tpu.memory_space<vmem>>
    %dma_wait3A_143 = tpu.memref_squeeze %dma_wait3A_142 : memref<1x128xi32, #tpu.memory_space<vmem>> -> memref<128xi32, #tpu.memory_space<vmem>>
    %dma_wait3A_144 = arith.constant 0 : i32
    %dma_wait3A_145 = arith.constant 0 : i32
    %dma_wait3A_146 = tpu.memref_slice %arg7[%dma_wait3A_144, %dma_wait3A_145] : memref<250000x128xf32, #tpu.memory_space<hbm>> -> memref<250000x128xf32, #tpu.memory_space<hbm>>
    tpu.wait_indirect_dma semaphore(%arg16 : memref<!tpu.dma_semaphore, #tpu.memory_space<semaphore_mem>>) src(%dma_wait3A_146 : memref<250000x128xf32, #tpu.memory_space<hbm>>) dst(%dma_wait3A_140 : memref<128x128xf32, #tpu.memory_space<vmem>>)
    %dma_wait3A_147 = arith.constant 3 : i32
    %dma_wait3A_148 = arith.constant 128 : i32
    %dma_wait3A_149 = arith.constant 0 : i32
    %dma_wait3A_150 = tpu.memref_slice %arg13[%dma_wait3A_148, %dma_wait3A_149] : memref<256x128xf32, #tpu.memory_space<vmem>> -> memref<128x128xf32, #tpu.memory_space<vmem>>
    %dma_wait3A_151 = arith.constant 0 : i32
    %dma_wait3A_152 = tpu.memref_slice %arg9[%dma_wait3A_147, %dma_wait3A_151] : memref<4x128xi32, #tpu.memory_space<vmem>> -> memref<1x128xi32, #tpu.memory_space<vmem>>
    %dma_wait3A_153 = tpu.memref_squeeze %dma_wait3A_152 : memref<1x128xi32, #tpu.memory_space<vmem>> -> memref<128xi32, #tpu.memory_space<vmem>>
    %dma_wait3A_154 = arith.constant 0 : i32
    %dma_wait3A_155 = arith.constant 0 : i32
    %dma_wait3A_156 = tpu.memref_slice %arg6[%dma_wait3A_154, %dma_wait3A_155] : memref<250000x128xf32, #tpu.memory_space<hbm>> -> memref<250000x128xf32, #tpu.memory_space<hbm>>
    tpu.wait_indirect_dma semaphore(%arg16 : memref<!tpu.dma_semaphore, #tpu.memory_space<semaphore_mem>>) src(%dma_wait3A_156 : memref<250000x128xf32, #tpu.memory_space<hbm>>) dst(%dma_wait3A_150 : memref<128x128xf32, #tpu.memory_space<vmem>>)
    %dma_wait3A_157 = arith.constant 3 : i32
    %dma_wait3A_158 = arith.constant 128 : i32
    %dma_wait3A_159 = arith.constant 0 : i32
    %dma_wait3A_160 = tpu.memref_slice %arg14[%dma_wait3A_158, %dma_wait3A_159] : memref<256x128xf32, #tpu.memory_space<vmem>> -> memref<128x128xf32, #tpu.memory_space<vmem>>
    %dma_wait3A_161 = arith.constant 0 : i32
    %dma_wait3A_162 = tpu.memref_slice %arg10[%dma_wait3A_157, %dma_wait3A_161] : memref<4x128xi32, #tpu.memory_space<vmem>> -> memref<1x128xi32, #tpu.memory_space<vmem>>
    %dma_wait3A_163 = tpu.memref_squeeze %dma_wait3A_162 : memref<1x128xi32, #tpu.memory_space<vmem>> -> memref<128xi32, #tpu.memory_space<vmem>>
    %dma_wait3A_164 = arith.constant 0 : i32
    %dma_wait3A_165 = arith.constant 0 : i32
    %dma_wait3A_166 = tpu.memref_slice %arg7[%dma_wait3A_164, %dma_wait3A_165] : memref<250000x128xf32, #tpu.memory_space<hbm>> -> memref<250000x128xf32, #tpu.memory_space<hbm>>
    tpu.wait_indirect_dma semaphore(%arg16 : memref<!tpu.dma_semaphore, #tpu.memory_space<semaphore_mem>>) src(%dma_wait3A_166 : memref<250000x128xf32, #tpu.memory_space<hbm>>) dst(%dma_wait3A_160 : memref<128x128xf32, #tpu.memory_space<vmem>>)
    %scan3A_167 = arith.constant 0 : i32
    %scan3A_168 = arith.constant 0 : i32
    %scan3A_169 = arith.constant 16 : i32
    %scan3A_170 = arith.addi %scan3A_168, %scan3A_169 : i32
    %scan3A_171 = arith.constant 1 : i32
    %scan3A_172 = scf.for %scan3A_176 = %scan3A_168 to %scan3A_170 step %scan3A_171 iter_args(%scan3A_177 = %scan3A_167) -> (i32)  : i32 {
      %mul3A_178 = arith.constant 16 : i32
      %mul3A_179 = arith.muli %scan3A_176, %mul3A_178 : i32
      %add3A_180 = arith.constant 256 : i32
      %add3A_181 = arith.addi %add3A_180, %mul3A_179 : i32
      %get3A = arith.index_cast %add3A_181 : i32 to index
      %get3A_182 = tpu.vector_load %arg11[%get3A] {strides = array<i32>} : memref<512xi32, #tpu.memory_space<vmem>>, vector<16xi32>,
      %mul3A_183 = arith.constant 16 : i32
      %mul3A_184 = arith.muli %scan3A_176, %mul3A_183 : i32
      %add3A_185 = arith.constant 256 : i32
      %add3A_186 = arith.addi %add3A_185, %mul3A_184 : i32
      %get3A_187 = arith.index_cast %add3A_186 : i32 to index
      %get3A_188 = tpu.vector_load %arg12[%get3A_187] {strides = array<i32>} : memref<512xi32, #tpu.memory_space<vmem>>, vector<16xi32>,
      %mul3A_189 = arith.constant 16 : i32
      %mul3A_190 = arith.muli %scan3A_176, %mul3A_189 : i32
      %add3A_191 = arith.constant 0 : i32
      %add3A_192 = arith.addi %mul3A_190, %add3A_191 : i32
      %slice3A = vector.extract_strided_slice %get3A_182 {offsets = [0], sizes = [1], strides = [1]} : vector<16xi32> to vector<1xi32>
      %squeeze3A = vector.extract %slice3A[0] : i32 from vector<1xi32>
      %slice3A_193 = vector.extract_strided_slice %get3A_188 {offsets = [0], sizes = [1], strides = [1]} : vector<16xi32> to vector<1xi32>
      %squeeze3A_194 = vector.extract %slice3A_193[0] : i32 from vector<1xi32>
      %get3A_195 = arith.index_cast %add3A_192 : i32 to index
      %get3A_196 = arith.index_cast %squeeze3A : i32 to index
      %get3A_197 = tpu.vector_load %arg13[%get3A_195, %get3A_196] {strides = array<i32>} : memref<256x128xf32, #tpu.memory_space<vmem>>, vector<16xf32>,
      %get3A_198 = arith.index_cast %add3A_192 : i32 to index
      %get3A_199 = arith.index_cast %squeeze3A_194 : i32 to index
      %get3A_200 = tpu.vector_load %arg14[%get3A_198, %get3A_199] {strides = array<i32>} : memref<256x128xf32, #tpu.memory_space<vmem>>, vector<16xf32>,
      %mul3A_201 = arith.mulf %get3A_197, %get3A_200 : vector<16xf32>
      %add3A_202 = arith.constant 16 : i32
      %add3A_203 = arith.addi %squeeze3A, %add3A_202 : i32
      %get3A_204 = arith.index_cast %add3A_192 : i32 to index
      %get3A_205 = arith.index_cast %add3A_203 : i32 to index
      %get3A_206 = tpu.vector_load %arg13[%get3A_204, %get3A_205] {strides = array<i32>} : memref<256x128xf32, #tpu.memory_space<vmem>>, vector<16xf32>,
      %add3A_207 = arith.constant 16 : i32
      %add3A_208 = arith.addi %squeeze3A_194, %add3A_207 : i32
      %get3A_209 = arith.index_cast %add3A_192 : i32 to index
      %get3A_210 = arith.index_cast %add3A_208 : i32 to index
      %get3A_211 = tpu.vector_load %arg14[%get3A_209, %get3A_210] {strides = array<i32>} : memref<256x128xf32, #tpu.memory_space<vmem>>, vector<16xf32>,
      %mul3A_212 = arith.mulf %get3A_206, %get3A_211 : vector<16xf32>
      %add3A_213 = arith.addf %mul3A_201, %mul3A_212 : vector<16xf32>
      %broadcast_in_dim3A = arith.constant true
      %broadcast_in_dim3A_214 = vector.broadcast %broadcast_in_dim3A : i1 to vector<16xi1>
      %masked_cumsum3A = tpu.scan <sum>, %add3A_213 masked %broadcast_in_dim3A_214 : vector<16xf32>, vector<16xi1> -> vector<16xf32>
      %add3A_215 = arith.constant 256 : i32
      %add3A_216 = arith.addi %add3A_215, %add3A_192 : i32
      %broadcast_in_dim3A_217 = vector.broadcast %add3A_216 : i32 to vector<16xi32>
      tpu.vector_store_idx %arg15[%broadcast_in_dim3A_217], %masked_cumsum3A masked %eq3A_2 : memref<512xf32, #tpu.memory_space<vmem>>[vector<16xi32>], vector<16xf32>, vector<16xi1>
      %mul3A_218 = arith.constant 16 : i32
      %mul3A_219 = arith.muli %scan3A_176, %mul3A_218 : i32
      %add3A_220 = arith.constant 1 : i32
      %add3A_221 = arith.addi %mul3A_219, %add3A_220 : i32
      %slice3A_222 = vector.extract_strided_slice %get3A_182 {offsets = [1], sizes = [1], strides = [1]} : vector<16xi32> to vector<1xi32>
      %squeeze3A_223 = vector.extract %slice3A_222[0] : i32 from vector<1xi32>
      %slice3A_224 = vector.extract_strided_slice %get3A_188 {offsets = [1], sizes = [1], strides = [1]} : vector<16xi32> to vector<1xi32>
      %squeeze3A_225 = vector.extract %slice3A_224[0] : i32 from vector<1xi32>
      %get3A_226 = arith.index_cast %add3A_221 : i32 to index
      %get3A_227 = arith.index_cast %squeeze3A_223 : i32 to index
      %get3A_228 = tpu.vector_load %arg13[%get3A_226, %get3A_227] {strides = array<i32>} : memref<256x128xf32, #tpu.memory_space<vmem>>, vector<16xf32>,
      %get3A_229 = arith.index_cast %add3A_221 : i32 to index
      %get3A_230 = arith.index_cast %squeeze3A_225 : i32 to index
      %get3A_231 = tpu.vector_load %arg14[%get3A_229, %get3A_230] {strides = array<i32>} : memref<256x128xf32, #tpu.memory_space<vmem>>, vector<16xf32>,
      %mul3A_232 = arith.mulf %get3A_228, %get3A_231 : vector<16xf32>
      %add3A_233 = arith.constant 16 : i32
      %add3A_234 = arith.addi %squeeze3A_223, %add3A_233 : i32
      %get3A_235 = arith.index_cast %add3A_221 : i32 to index
      %get3A_236 = arith.index_cast %add3A_234 : i32 to index
      %get3A_237 = tpu.vector_load %arg13[%get3A_235, %get3A_236] {strides = array<i32>} : memref<256x128xf32, #tpu.memory_space<vmem>>, vector<16xf32>,
      %add3A_238 = arith.constant 16 : i32
      %add3A_239 = arith.addi %squeeze3A_225, %add3A_238 : i32
      %get3A_240 = arith.index_cast %add3A_221 : i32 to index
      %get3A_241 = arith.index_cast %add3A_239 : i32 to index
      %get3A_242 = tpu.vector_load %arg14[%get3A_240, %get3A_241] {strides = array<i32>} : memref<256x128xf32, #tpu.memory_space<vmem>>, vector<16xf32>,
      %mul3A_243 = arith.mulf %get3A_237, %get3A_242 : vector<16xf32>
      %add3A_244 = arith.addf %mul3A_232, %mul3A_243 : vector<16xf32>
      %broadcast_in_dim3A_245 = arith.constant true
      %broadcast_in_dim3A_246 = vector.broadcast %broadcast_in_dim3A_245 : i1 to vector<16xi1>
      %masked_cumsum3A_247 = tpu.scan <sum>, %add3A_244 masked %broadcast_in_dim3A_246 : vector<16xf32>, vector<16xi1> -> vector<16xf32>
      %add3A_248 = arith.constant 256 : i32
      %add3A_249 = arith.addi %add3A_248, %add3A_221 : i32
      %broadcast_in_dim3A_250 = vector.broadcast %add3A_249 : i32 to vector<16xi32>
      tpu.vector_store_idx %arg15[%broadcast_in_dim3A_250], %masked_cumsum3A_247 masked %eq3A_2 : memref<512xf32, #tpu.memory_space<vmem>>[vector<16xi32>], vector<16xf32>, vector<16xi1>
      %mul3A_251 = arith.constant 16 : i32
      %mul3A_252 = arith.muli %scan3A_176, %mul3A_251 : i32
      %add3A_253 = arith.constant 2 : i32
      %add3A_254 = arith.addi %mul3A_252, %add3A_253 : i32
      %slice3A_255 = vector.extract_strided_slice %get3A_182 {offsets = [2], sizes = [1], strides = [1]} : vector<16xi32> to vector<1xi32>
      %squeeze3A_256 = vector.extract %slice3A_255[0] : i32 from vector<1xi32>
      %slice3A_257 = vector.extract_strided_slice %get3A_188 {offsets = [2], sizes = [1], strides = [1]} : vector<16xi32> to vector<1xi32>
      %squeeze3A_258 = vector.extract %slice3A_257[0] : i32 from vector<1xi32>
      %get3A_259 = arith.index_cast %add3A_254 : i32 to index
      %get3A_260 = arith.index_cast %squeeze3A_256 : i32 to index
      %get3A_261 = tpu.vector_load %arg13[%get3A_259, %get3A_260] {strides = array<i32>} : memref<256x128xf32, #tpu.memory_space<vmem>>, vector<16xf32>,
      %get3A_262 = arith.index_cast %add3A_254 : i32 to index
      %get3A_263 = arith.index_cast %squeeze3A_258 : i32 to index
      %get3A_264 = tpu.vector_load %arg14[%get3A_262, %get3A_263] {strides = array<i32>} : memref<256x128xf32, #tpu.memory_space<vmem>>, vector<16xf32>,
      %mul3A_265 = arith.mulf %get3A_261, %get3A_264 : vector<16xf32>
      %add3A_266 = arith.constant 16 : i32
      %add3A_267 = arith.addi %squeeze3A_256, %add3A_266 : i32
      %get3A_268 = arith.index_cast %add3A_254 : i32 to index
      %get3A_269 = arith.index_cast %add3A_267 : i32 to index
      %get3A_270 = tpu.vector_load %arg13[%get3A_268, %get3A_269] {strides = array<i32>} : memref<256x128xf32, #tpu.memory_space<vmem>>, vector<16xf32>,
      %add3A_271 = arith.constant 16 : i32
      %add3A_272 = arith.addi %squeeze3A_258, %add3A_271 : i32
      %get3A_273 = arith.index_cast %add3A_254 : i32 to index
      %get3A_274 = arith.index_cast %add3A_272 : i32 to index
      %get3A_275 = tpu.vector_load %arg14[%get3A_273, %get3A_274] {strides = array<i32>} : memref<256x128xf32, #tpu.memory_space<vmem>>, vector<16xf32>,
      %mul3A_276 = arith.mulf %get3A_270, %get3A_275 : vector<16xf32>
      %add3A_277 = arith.addf %mul3A_265, %mul3A_276 : vector<16xf32>
      %broadcast_in_dim3A_278 = arith.constant true
      %broadcast_in_dim3A_279 = vector.broadcast %broadcast_in_dim3A_278 : i1 to vector<16xi1>
      %masked_cumsum3A_280 = tpu.scan <sum>, %add3A_277 masked %broadcast_in_dim3A_279 : vector<16xf32>, vector<16xi1> -> vector<16xf32>
      %add3A_281 = arith.constant 256 : i32
      %add3A_282 = arith.addi %add3A_281, %add3A_254 : i32
      %broadcast_in_dim3A_283 = vector.broadcast %add3A_282 : i32 to vector<16xi32>
      tpu.vector_store_idx %arg15[%broadcast_in_dim3A_283], %masked_cumsum3A_280 masked %eq3A_2 : memref<512xf32, #tpu.memory_space<vmem>>[vector<16xi32>], vector<16xf32>, vector<16xi1>
      %mul3A_284 = arith.constant 16 : i32
      %mul3A_285 = arith.muli %scan3A_176, %mul3A_284 : i32
      %add3A_286 = arith.constant 3 : i32
      %add3A_287 = arith.addi %mul3A_285, %add3A_286 : i32
      %slice3A_288 = vector.extract_strided_slice %get3A_182 {offsets = [3], sizes = [1], strides = [1]} : vector<16xi32> to vector<1xi32>
      %squeeze3A_289 = vector.extract %slice3A_288[0] : i32 from vector<1xi32>
      %slice3A_290 = vector.extract_strided_slice %get3A_188 {offsets = [3], sizes = [1], strides = [1]} : vector<16xi32> to vector<1xi32>
      %squeeze3A_291 = vector.extract %slice3A_290[0] : i32 from vector<1xi32>
      %get3A_292 = arith.index_cast %add3A_287 : i32 to index
      %get3A_293 = arith.index_cast %squeeze3A_289 : i32 to index
      %get3A_294 = tpu.vector_load %arg13[%get3A_292, %get3A_293] {strides = array<i32>} : memref<256x128xf32, #tpu.memory_space<vmem>>, vector<16xf32>,
      %get3A_295 = arith.index_cast %add3A_287 : i32 to index
      %get3A_296 = arith.index_cast %squeeze3A_291 : i32 to index
      %get3A_297 = tpu.vector_load %arg14[%get3A_295, %get3A_296] {strides = array<i32>} : memref<256x128xf32, #tpu.memory_space<vmem>>, vector<16xf32>,
      %mul3A_298 = arith.mulf %get3A_294, %get3A_297 : vector<16xf32>
      %add3A_299 = arith.constant 16 : i32
      %add3A_300 = arith.addi %squeeze3A_289, %add3A_299 : i32
      %get3A_301 = arith.index_cast %add3A_287 : i32 to index
      %get3A_302 = arith.index_cast %add3A_300 : i32 to index
      %get3A_303 = tpu.vector_load %arg13[%get3A_301, %get3A_302] {strides = array<i32>} : memref<256x128xf32, #tpu.memory_space<vmem>>, vector<16xf32>,
      %add3A_304 = arith.constant 16 : i32
      %add3A_305 = arith.addi %squeeze3A_291, %add3A_304 : i32
      %get3A_306 = arith.index_cast %add3A_287 : i32 to index
      %get3A_307 = arith.index_cast %add3A_305 : i32 to index
      %get3A_308 = tpu.vector_load %arg14[%get3A_306, %get3A_307] {strides = array<i32>} : memref<256x128xf32, #tpu.memory_space<vmem>>, vector<16xf32>,
      %mul3A_309 = arith.mulf %get3A_303, %get3A_308 : vector<16xf32>
      %add3A_310 = arith.addf %mul3A_298, %mul3A_309 : vector<16xf32>
      %broadcast_in_dim3A_311 = arith.constant true
      %broadcast_in_dim3A_312 = vector.broadcast %broadcast_in_dim3A_311 : i1 to vector<16xi1>
      %masked_cumsum3A_313 = tpu.scan <sum>, %add3A_310 masked %broadcast_in_dim3A_312 : vector<16xf32>, vector<16xi1> -> vector<16xf32>
      %add3A_314 = arith.constant 256 : i32
      %add3A_315 = arith.addi %add3A_314, %add3A_287 : i32
      %broadcast_in_dim3A_316 = vector.broadcast %add3A_315 : i32 to vector<16xi32>
      tpu.vector_store_idx %arg15[%broadcast_in_dim3A_316], %masked_cumsum3A_313 masked %eq3A_2 : memref<512xf32, #tpu.memory_space<vmem>>[vector<16xi32>], vector<16xf32>, vector<16xi1>
      %mul3A_317 = arith.constant 16 : i32
      %mul3A_318 = arith.muli %scan3A_176, %mul3A_317 : i32
      %add3A_319 = arith.constant 4 : i32
      %add3A_320 = arith.addi %mul3A_318, %add3A_319 : i32
      %slice3A_321 = vector.extract_strided_slice %get3A_182 {offsets = [4], sizes = [1], strides = [1]} : vector<16xi32> to vector<1xi32>
      %squeeze3A_322 = vector.extract %slice3A_321[0] : i32 from vector<1xi32>
      %slice3A_323 = vector.extract_strided_slice %get3A_188 {offsets = [4], sizes = [1], strides = [1]} : vector<16xi32> to vector<1xi32>
      %squeeze3A_324 = vector.extract %slice3A_323[0] : i32 from vector<1xi32>
      %get3A_325 = arith.index_cast %add3A_320 : i32 to index
      %get3A_326 = arith.index_cast %squeeze3A_322 : i32 to index
      %get3A_327 = tpu.vector_load %arg13[%get3A_325, %get3A_326] {strides = array<i32>} : memref<256x128xf32, #tpu.memory_space<vmem>>, vector<16xf32>,
      %get3A_328 = arith.index_cast %add3A_320 : i32 to index
      %get3A_329 = arith.index_cast %squeeze3A_324 : i32 to index
      %get3A_330 = tpu.vector_load %arg14[%get3A_328, %get3A_329] {strides = array<i32>} : memref<256x128xf32, #tpu.memory_space<vmem>>, vector<16xf32>,
      %mul3A_331 = arith.mulf %get3A_327, %get3A_330 : vector<16xf32>
      %add3A_332 = arith.constant 16 : i32
      %add3A_333 = arith.addi %squeeze3A_322, %add3A_332 : i32
      %get3A_334 = arith.index_cast %add3A_320 : i32 to index
      %get3A_335 = arith.index_cast %add3A_333 : i32 to index
      %get3A_336 = tpu.vector_load %arg13[%get3A_334, %get3A_335] {strides = array<i32>} : memref<256x128xf32, #tpu.memory_space<vmem>>, vector<16xf32>,
      %add3A_337 = arith.constant 16 : i32
      %add3A_338 = arith.addi %squeeze3A_324, %add3A_337 : i32
      %get3A_339 = arith.index_cast %add3A_320 : i32 to index
      %get3A_340 = arith.index_cast %add3A_338 : i32 to index
      %get3A_341 = tpu.vector_load %arg14[%get3A_339, %get3A_340] {strides = array<i32>} : memref<256x128xf32, #tpu.memory_space<vmem>>, vector<16xf32>,
      %mul3A_342 = arith.mulf %get3A_336, %get3A_341 : vector<16xf32>
      %add3A_343 = arith.addf %mul3A_331, %mul3A_342 : vector<16xf32>
      %broadcast_in_dim3A_344 = arith.constant true
      %broadcast_in_dim3A_345 = vector.broadcast %broadcast_in_dim3A_344 : i1 to vector<16xi1>
      %masked_cumsum3A_346 = tpu.scan <sum>, %add3A_343 masked %broadcast_in_dim3A_345 : vector<16xf32>, vector<16xi1> -> vector<16xf32>
      %add3A_347 = arith.constant 256 : i32
      %add3A_348 = arith.addi %add3A_347, %add3A_320 : i32
      %broadcast_in_dim3A_349 = vector.broadcast %add3A_348 : i32 to vector<16xi32>
      tpu.vector_store_idx %arg15[%broadcast_in_dim3A_349], %masked_cumsum3A_346 masked %eq3A_2 : memref<512xf32, #tpu.memory_space<vmem>>[vector<16xi32>], vector<16xf32>, vector<16xi1>
      %mul3A_350 = arith.constant 16 : i32
      %mul3A_351 = arith.muli %scan3A_176, %mul3A_350 : i32
      %add3A_352 = arith.constant 5 : i32
      %add3A_353 = arith.addi %mul3A_351, %add3A_352 : i32
      %slice3A_354 = vector.extract_strided_slice %get3A_182 {offsets = [5], sizes = [1], strides = [1]} : vector<16xi32> to vector<1xi32>
      %squeeze3A_355 = vector.extract %slice3A_354[0] : i32 from vector<1xi32>
      %slice3A_356 = vector.extract_strided_slice %get3A_188 {offsets = [5], sizes = [1], strides = [1]} : vector<16xi32> to vector<1xi32>
      %squeeze3A_357 = vector.extract %slice3A_356[0] : i32 from vector<1xi32>
      %get3A_358 = arith.index_cast %add3A_353 : i32 to index
      %get3A_359 = arith.index_cast %squeeze3A_355 : i32 to index
      %get3A_360 = tpu.vector_load %arg13[%get3A_358, %get3A_359] {strides = array<i32>} : memref<256x128xf32, #tpu.memory_space<vmem>>, vector<16xf32>,
      %get3A_361 = arith.index_cast %add3A_353 : i32 to index
      %get3A_362 = arith.index_cast %squeeze3A_357 : i32 to index
      %get3A_363 = tpu.vector_load %arg14[%get3A_361, %get3A_362] {strides = array<i32>} : memref<256x128xf32, #tpu.memory_space<vmem>>, vector<16xf32>,
      %mul3A_364 = arith.mulf %get3A_360, %get3A_363 : vector<16xf32>
      %add3A_365 = arith.constant 16 : i32
      %add3A_366 = arith.addi %squeeze3A_355, %add3A_365 : i32
      %get3A_367 = arith.index_cast %add3A_353 : i32 to index
      %get3A_368 = arith.index_cast %add3A_366 : i32 to index
      %get3A_369 = tpu.vector_load %arg13[%get3A_367, %get3A_368] {strides = array<i32>} : memref<256x128xf32, #tpu.memory_space<vmem>>, vector<16xf32>,
      %add3A_370 = arith.constant 16 : i32
      %add3A_371 = arith.addi %squeeze3A_357, %add3A_370 : i32
      %get3A_372 = arith.index_cast %add3A_353 : i32 to index
      %get3A_373 = arith.index_cast %add3A_371 : i32 to index
      %get3A_374 = tpu.vector_load %arg14[%get3A_372, %get3A_373] {strides = array<i32>} : memref<256x128xf32, #tpu.memory_space<vmem>>, vector<16xf32>,
      %mul3A_375 = arith.mulf %get3A_369, %get3A_374 : vector<16xf32>
      %add3A_376 = arith.addf %mul3A_364, %mul3A_375 : vector<16xf32>
      %broadcast_in_dim3A_377 = arith.constant true
      %broadcast_in_dim3A_378 = vector.broadcast %broadcast_in_dim3A_377 : i1 to vector<16xi1>
      %masked_cumsum3A_379 = tpu.scan <sum>, %add3A_376 masked %broadcast_in_dim3A_378 : vector<16xf32>, vector<16xi1> -> vector<16xf32>
      %add3A_380 = arith.constant 256 : i32
      %add3A_381 = arith.addi %add3A_380, %add3A_353 : i32
      %broadcast_in_dim3A_382 = vector.broadcast %add3A_381 : i32 to vector<16xi32>
      tpu.vector_store_idx %arg15[%broadcast_in_dim3A_382], %masked_cumsum3A_379 masked %eq3A_2 : memref<512xf32, #tpu.memory_space<vmem>>[vector<16xi32>], vector<16xf32>, vector<16xi1>
      %mul3A_383 = arith.constant 16 : i32
      %mul3A_384 = arith.muli %scan3A_176, %mul3A_383 : i32
      %add3A_385 = arith.constant 6 : i32
      %add3A_386 = arith.addi %mul3A_384, %add3A_385 : i32
      %slice3A_387 = vector.extract_strided_slice %get3A_182 {offsets = [6], sizes = [1], strides = [1]} : vector<16xi32> to vector<1xi32>
      %squeeze3A_388 = vector.extract %slice3A_387[0] : i32 from vector<1xi32>
      %slice3A_389 = vector.extract_strided_slice %get3A_188 {offsets = [6], sizes = [1], strides = [1]} : vector<16xi32> to vector<1xi32>
      %squeeze3A_390 = vector.extract %slice3A_389[0] : i32 from vector<1xi32>
      %get3A_391 = arith.index_cast %add3A_386 : i32 to index
      %get3A_392 = arith.index_cast %squeeze3A_388 : i32 to index
      %get3A_393 = tpu.vector_load %arg13[%get3A_391, %get3A_392] {strides = array<i32>} : memref<256x128xf32, #tpu.memory_space<vmem>>, vector<16xf32>,
      %get3A_394 = arith.index_cast %add3A_386 : i32 to index
      %get3A_395 = arith.index_cast %squeeze3A_390 : i32 to index
      %get3A_396 = tpu.vector_load %arg14[%get3A_394, %get3A_395] {strides = array<i32>} : memref<256x128xf32, #tpu.memory_space<vmem>>, vector<16xf32>,
      %mul3A_397 = arith.mulf %get3A_393, %get3A_396 : vector<16xf32>
      %add3A_398 = arith.constant 16 : i32
      %add3A_399 = arith.addi %squeeze3A_388, %add3A_398 : i32
      %get3A_400 = arith.index_cast %add3A_386 : i32 to index
      %get3A_401 = arith.index_cast %add3A_399 : i32 to index
      %get3A_402 = tpu.vector_load %arg13[%get3A_400, %get3A_401] {strides = array<i32>} : memref<256x128xf32, #tpu.memory_space<vmem>>, vector<16xf32>,
      %add3A_403 = arith.constant 16 : i32
      %add3A_404 = arith.addi %squeeze3A_390, %add3A_403 : i32
      %get3A_405 = arith.index_cast %add3A_386 : i32 to index
      %get3A_406 = arith.index_cast %add3A_404 : i32 to index
      %get3A_407 = tpu.vector_load %arg14[%get3A_405, %get3A_406] {strides = array<i32>} : memref<256x128xf32, #tpu.memory_space<vmem>>, vector<16xf32>,
      %mul3A_408 = arith.mulf %get3A_402, %get3A_407 : vector<16xf32>
      %add3A_409 = arith.addf %mul3A_397, %mul3A_408 : vector<16xf32>
      %broadcast_in_dim3A_410 = arith.constant true
      %broadcast_in_dim3A_411 = vector.broadcast %broadcast_in_dim3A_410 : i1 to vector<16xi1>
      %masked_cumsum3A_412 = tpu.scan <sum>, %add3A_409 masked %broadcast_in_dim3A_411 : vector<16xf32>, vector<16xi1> -> vector<16xf32>
      %add3A_413 = arith.constant 256 : i32
      %add3A_414 = arith.addi %add3A_413, %add3A_386 : i32
      %broadcast_in_dim3A_415 = vector.broadcast %add3A_414 : i32 to vector<16xi32>
      tpu.vector_store_idx %arg15[%broadcast_in_dim3A_415], %masked_cumsum3A_412 masked %eq3A_2 : memref<512xf32, #tpu.memory_space<vmem>>[vector<16xi32>], vector<16xf32>, vector<16xi1>
      %mul3A_416 = arith.constant 16 : i32
      %mul3A_417 = arith.muli %scan3A_176, %mul3A_416 : i32
      %add3A_418 = arith.constant 7 : i32
      %add3A_419 = arith.addi %mul3A_417, %add3A_418 : i32
      %slice3A_420 = vector.extract_strided_slice %get3A_182 {offsets = [7], sizes = [1], strides = [1]} : vector<16xi32> to vector<1xi32>
      %squeeze3A_421 = vector.extract %slice3A_420[0] : i32 from vector<1xi32>
      %slice3A_422 = vector.extract_strided_slice %get3A_188 {offsets = [7], sizes = [1], strides = [1]} : vector<16xi32> to vector<1xi32>
      %squeeze3A_423 = vector.extract %slice3A_422[0] : i32 from vector<1xi32>
      %get3A_424 = arith.index_cast %add3A_419 : i32 to index
      %get3A_425 = arith.index_cast %squeeze3A_421 : i32 to index
      %get3A_426 = tpu.vector_load %arg13[%get3A_424, %get3A_425] {strides = array<i32>} : memref<256x128xf32, #tpu.memory_space<vmem>>, vector<16xf32>,
      %get3A_427 = arith.index_cast %add3A_419 : i32 to index
      %get3A_428 = arith.index_cast %squeeze3A_423 : i32 to index
      %get3A_429 = tpu.vector_load %arg14[%get3A_427, %get3A_428] {strides = array<i32>} : memref<256x128xf32, #tpu.memory_space<vmem>>, vector<16xf32>,
      %mul3A_430 = arith.mulf %get3A_426, %get3A_429 : vector<16xf32>
      %add3A_431 = arith.constant 16 : i32
      %add3A_432 = arith.addi %squeeze3A_421, %add3A_431 : i32
      %get3A_433 = arith.index_cast %add3A_419 : i32 to index
      %get3A_434 = arith.index_cast %add3A_432 : i32 to index
      %get3A_435 = tpu.vector_load %arg13[%get3A_433, %get3A_434] {strides = array<i32>} : memref<256x128xf32, #tpu.memory_space<vmem>>, vector<16xf32>,
      %add3A_436 = arith.constant 16 : i32
      %add3A_437 = arith.addi %squeeze3A_423, %add3A_436 : i32
      %get3A_438 = arith.index_cast %add3A_419 : i32 to index
      %get3A_439 = arith.index_cast %add3A_437 : i32 to index
      %get3A_440 = tpu.vector_load %arg14[%get3A_438, %get3A_439] {strides = array<i32>} : memref<256x128xf32, #tpu.memory_space<vmem>>, vector<16xf32>,
      %mul3A_441 = arith.mulf %get3A_435, %get3A_440 : vector<16xf32>
      %add3A_442 = arith.addf %mul3A_430, %mul3A_441 : vector<16xf32>
      %broadcast_in_dim3A_443 = arith.constant true
      %broadcast_in_dim3A_444 = vector.broadcast %broadcast_in_dim3A_443 : i1 to vector<16xi1>
      %masked_cumsum3A_445 = tpu.scan <sum>, %add3A_442 masked %broadcast_in_dim3A_444 : vector<16xf32>, vector<16xi1> -> vector<16xf32>
      %add3A_446 = arith.constant 256 : i32
      %add3A_447 = arith.addi %add3A_446, %add3A_419 : i32
      %broadcast_in_dim3A_448 = vector.broadcast %add3A_447 : i32 to vector<16xi32>
      tpu.vector_store_idx %arg15[%broadcast_in_dim3A_448], %masked_cumsum3A_445 masked %eq3A_2 : memref<512xf32, #tpu.memory_space<vmem>>[vector<16xi32>], vector<16xf32>, vector<16xi1>
      %mul3A_449 = arith.constant 16 : i32
      %mul3A_450 = arith.muli %scan3A_176, %mul3A_449 : i32
      %add3A_451 = arith.constant 8 : i32
      %add3A_452 = arith.addi %mul3A_450, %add3A_451 : i32
      %slice3A_453 = vector.extract_strided_slice %get3A_182 {offsets = [8], sizes = [1], strides = [1]} : vector<16xi32> to vector<1xi32>
      %squeeze3A_454 = vector.extract %slice3A_453[0] : i32 from vector<1xi32>
      %slice3A_455 = vector.extract_strided_slice %get3A_188 {offsets = [8], sizes = [1], strides = [1]} : vector<16xi32> to vector<1xi32>
      %squeeze3A_456 = vector.extract %slice3A_455[0] : i32 from vector<1xi32>
      %get3A_457 = arith.index_cast %add3A_452 : i32 to index
      %get3A_458 = arith.index_cast %squeeze3A_454 : i32 to index
      %get3A_459 = tpu.vector_load %arg13[%get3A_457, %get3A_458] {strides = array<i32>} : memref<256x128xf32, #tpu.memory_space<vmem>>, vector<16xf32>,
      %get3A_460 = arith.index_cast %add3A_452 : i32 to index
      %get3A_461 = arith.index_cast %squeeze3A_456 : i32 to index
      %get3A_462 = tpu.vector_load %arg14[%get3A_460, %get3A_461] {strides = array<i32>} : memref<256x128xf32, #tpu.memory_space<vmem>>, vector<16xf32>,
      %mul3A_463 = arith.mulf %get3A_459, %get3A_462 : vector<16xf32>
      %add3A_464 = arith.constant 16 : i32
      %add3A_465 = arith.addi %squeeze3A_454, %add3A_464 : i32
      %get3A_466 = arith.index_cast %add3A_452 : i32 to index
      %get3A_467 = arith.index_cast %add3A_465 : i32 to index
      %get3A_468 = tpu.vector_load %arg13[%get3A_466, %get3A_467] {strides = array<i32>} : memref<256x128xf32, #tpu.memory_space<vmem>>, vector<16xf32>,
      %add3A_469 = arith.constant 16 : i32
      %add3A_470 = arith.addi %squeeze3A_456, %add3A_469 : i32
      %get3A_471 = arith.index_cast %add3A_452 : i32 to index
      %get3A_472 = arith.index_cast %add3A_470 : i32 to index
      %get3A_473 = tpu.vector_load %arg14[%get3A_471, %get3A_472] {strides = array<i32>} : memref<256x128xf32, #tpu.memory_space<vmem>>, vector<16xf32>,
      %mul3A_474 = arith.mulf %get3A_468, %get3A_473 : vector<16xf32>
      %add3A_475 = arith.addf %mul3A_463, %mul3A_474 : vector<16xf32>
      %broadcast_in_dim3A_476 = arith.constant true
      %broadcast_in_dim3A_477 = vector.broadcast %broadcast_in_dim3A_476 : i1 to vector<16xi1>
      %masked_cumsum3A_478 = tpu.scan <sum>, %add3A_475 masked %broadcast_in_dim3A_477 : vector<16xf32>, vector<16xi1> -> vector<16xf32>
      %add3A_479 = arith.constant 256 : i32
      %add3A_480 = arith.addi %add3A_479, %add3A_452 : i32
      %broadcast_in_dim3A_481 = vector.broadcast %add3A_480 : i32 to vector<16xi32>
      tpu.vector_store_idx %arg15[%broadcast_in_dim3A_481], %masked_cumsum3A_478 masked %eq3A_2 : memref<512xf32, #tpu.memory_space<vmem>>[vector<16xi32>], vector<16xf32>, vector<16xi1>
      %mul3A_482 = arith.constant 16 : i32
      %mul3A_483 = arith.muli %scan3A_176, %mul3A_482 : i32
      %add3A_484 = arith.constant 9 : i32
      %add3A_485 = arith.addi %mul3A_483, %add3A_484 : i32
      %slice3A_486 = vector.extract_strided_slice %get3A_182 {offsets = [9], sizes = [1], strides = [1]} : vector<16xi32> to vector<1xi32>
      %squeeze3A_487 = vector.extract %slice3A_486[0] : i32 from vector<1xi32>
      %slice3A_488 = vector.extract_strided_slice %get3A_188 {offsets = [9], sizes = [1], strides = [1]} : vector<16xi32> to vector<1xi32>
      %squeeze3A_489 = vector.extract %slice3A_488[0] : i32 from vector<1xi32>
      %get3A_490 = arith.index_cast %add3A_485 : i32 to index
      %get3A_491 = arith.index_cast %squeeze3A_487 : i32 to index
      %get3A_492 = tpu.vector_load %arg13[%get3A_490, %get3A_491] {strides = array<i32>} : memref<256x128xf32, #tpu.memory_space<vmem>>, vector<16xf32>,
      %get3A_493 = arith.index_cast %add3A_485 : i32 to index
      %get3A_494 = arith.index_cast %squeeze3A_489 : i32 to index
      %get3A_495 = tpu.vector_load %arg14[%get3A_493, %get3A_494] {strides = array<i32>} : memref<256x128xf32, #tpu.memory_space<vmem>>, vector<16xf32>,
      %mul3A_496 = arith.mulf %get3A_492, %get3A_495 : vector<16xf32>
      %add3A_497 = arith.constant 16 : i32
      %add3A_498 = arith.addi %squeeze3A_487, %add3A_497 : i32
      %get3A_499 = arith.index_cast %add3A_485 : i32 to index
      %get3A_500 = arith.index_cast %add3A_498 : i32 to index
      %get3A_501 = tpu.vector_load %arg13[%get3A_499, %get3A_500] {strides = array<i32>} : memref<256x128xf32, #tpu.memory_space<vmem>>, vector<16xf32>,
      %add3A_502 = arith.constant 16 : i32
      %add3A_503 = arith.addi %squeeze3A_489, %add3A_502 : i32
      %get3A_504 = arith.index_cast %add3A_485 : i32 to index
      %get3A_505 = arith.index_cast %add3A_503 : i32 to index
      %get3A_506 = tpu.vector_load %arg14[%get3A_504, %get3A_505] {strides = array<i32>} : memref<256x128xf32, #tpu.memory_space<vmem>>, vector<16xf32>,
      %mul3A_507 = arith.mulf %get3A_501, %get3A_506 : vector<16xf32>
      %add3A_508 = arith.addf %mul3A_496, %mul3A_507 : vector<16xf32>
      %broadcast_in_dim3A_509 = arith.constant true
      %broadcast_in_dim3A_510 = vector.broadcast %broadcast_in_dim3A_509 : i1 to vector<16xi1>
      %masked_cumsum3A_511 = tpu.scan <sum>, %add3A_508 masked %broadcast_in_dim3A_510 : vector<16xf32>, vector<16xi1> -> vector<16xf32>
      %add3A_512 = arith.constant 256 : i32
      %add3A_513 = arith.addi %add3A_512, %add3A_485 : i32
      %broadcast_in_dim3A_514 = vector.broadcast %add3A_513 : i32 to vector<16xi32>
      tpu.vector_store_idx %arg15[%broadcast_in_dim3A_514], %masked_cumsum3A_511 masked %eq3A_2 : memref<512xf32, #tpu.memory_space<vmem>>[vector<16xi32>], vector<16xf32>, vector<16xi1>
      %mul3A_515 = arith.constant 16 : i32
      %mul3A_516 = arith.muli %scan3A_176, %mul3A_515 : i32
      %add3A_517 = arith.constant 10 : i32
      %add3A_518 = arith.addi %mul3A_516, %add3A_517 : i32
      %slice3A_519 = vector.extract_strided_slice %get3A_182 {offsets = [10], sizes = [1], strides = [1]} : vector<16xi32> to vector<1xi32>
      %squeeze3A_520 = vector.extract %slice3A_519[0] : i32 from vector<1xi32>
      %slice3A_521 = vector.extract_strided_slice %get3A_188 {offsets = [10], sizes = [1], strides = [1]} : vector<16xi32> to vector<1xi32>
      %squeeze3A_522 = vector.extract %slice3A_521[0] : i32 from vector<1xi32>
      %get3A_523 = arith.index_cast %add3A_518 : i32 to index
      %get3A_524 = arith.index_cast %squeeze3A_520 : i32 to index
      %get3A_525 = tpu.vector_load %arg13[%get3A_523, %get3A_524] {strides = array<i32>} : memref<256x128xf32, #tpu.memory_space<vmem>>, vector<16xf32>,
      %get3A_526 = arith.index_cast %add3A_518 : i32 to index
      %get3A_527 = arith.index_cast %squeeze3A_522 : i32 to index
      %get3A_528 = tpu.vector_load %arg14[%get3A_526, %get3A_527] {strides = array<i32>} : memref<256x128xf32, #tpu.memory_space<vmem>>, vector<16xf32>,
      %mul3A_529 = arith.mulf %get3A_525, %get3A_528 : vector<16xf32>
      %add3A_530 = arith.constant 16 : i32
      %add3A_531 = arith.addi %squeeze3A_520, %add3A_530 : i32
      %get3A_532 = arith.index_cast %add3A_518 : i32 to index
      %get3A_533 = arith.index_cast %add3A_531 : i32 to index
      %get3A_534 = tpu.vector_load %arg13[%get3A_532, %get3A_533] {strides = array<i32>} : memref<256x128xf32, #tpu.memory_space<vmem>>, vector<16xf32>,
      %add3A_535 = arith.constant 16 : i32
      %add3A_536 = arith.addi %squeeze3A_522, %add3A_535 : i32
      %get3A_537 = arith.index_cast %add3A_518 : i32 to index
      %get3A_538 = arith.index_cast %add3A_536 : i32 to index
      %get3A_539 = tpu.vector_load %arg14[%get3A_537, %get3A_538] {strides = array<i32>} : memref<256x128xf32, #tpu.memory_space<vmem>>, vector<16xf32>,
      %mul3A_540 = arith.mulf %get3A_534, %get3A_539 : vector<16xf32>
      %add3A_541 = arith.addf %mul3A_529, %mul3A_540 : vector<16xf32>
      %broadcast_in_dim3A_542 = arith.constant true
      %broadcast_in_dim3A_543 = vector.broadcast %broadcast_in_dim3A_542 : i1 to vector<16xi1>
      %masked_cumsum3A_544 = tpu.scan <sum>, %add3A_541 masked %broadcast_in_dim3A_543 : vector<16xf32>, vector<16xi1> -> vector<16xf32>
      %add3A_545 = arith.constant 256 : i32
      %add3A_546 = arith.addi %add3A_545, %add3A_518 : i32
      %broadcast_in_dim3A_547 = vector.broadcast %add3A_546 : i32 to vector<16xi32>
      tpu.vector_store_idx %arg15[%broadcast_in_dim3A_547], %masked_cumsum3A_544 masked %eq3A_2 : memref<512xf32, #tpu.memory_space<vmem>>[vector<16xi32>], vector<16xf32>, vector<16xi1>
      %mul3A_548 = arith.constant 16 : i32
      %mul3A_549 = arith.muli %scan3A_176, %mul3A_548 : i32
      %add3A_550 = arith.constant 11 : i32
      %add3A_551 = arith.addi %mul3A_549, %add3A_550 : i32
      %slice3A_552 = vector.extract_strided_slice %get3A_182 {offsets = [11], sizes = [1], strides = [1]} : vector<16xi32> to vector<1xi32>
      %squeeze3A_553 = vector.extract %slice3A_552[0] : i32 from vector<1xi32>
      %slice3A_554 = vector.extract_strided_slice %get3A_188 {offsets = [11], sizes = [1], strides = [1]} : vector<16xi32> to vector<1xi32>
      %squeeze3A_555 = vector.extract %slice3A_554[0] : i32 from vector<1xi32>
      %get3A_556 = arith.index_cast %add3A_551 : i32 to index
      %get3A_557 = arith.index_cast %squeeze3A_553 : i32 to index
      %get3A_558 = tpu.vector_load %arg13[%get3A_556, %get3A_557] {strides = array<i32>} : memref<256x128xf32, #tpu.memory_space<vmem>>, vector<16xf32>,
      %get3A_559 = arith.index_cast %add3A_551 : i32 to index
      %get3A_560 = arith.index_cast %squeeze3A_555 : i32 to index
      %get3A_561 = tpu.vector_load %arg14[%get3A_559, %get3A_560] {strides = array<i32>} : memref<256x128xf32, #tpu.memory_space<vmem>>, vector<16xf32>,
      %mul3A_562 = arith.mulf %get3A_558, %get3A_561 : vector<16xf32>
      %add3A_563 = arith.constant 16 : i32
      %add3A_564 = arith.addi %squeeze3A_553, %add3A_563 : i32
      %get3A_565 = arith.index_cast %add3A_551 : i32 to index
      %get3A_566 = arith.index_cast %add3A_564 : i32 to index
      %get3A_567 = tpu.vector_load %arg13[%get3A_565, %get3A_566] {strides = array<i32>} : memref<256x128xf32, #tpu.memory_space<vmem>>, vector<16xf32>,
      %add3A_568 = arith.constant 16 : i32
      %add3A_569 = arith.addi %squeeze3A_555, %add3A_568 : i32
      %get3A_570 = arith.index_cast %add3A_551 : i32 to index
      %get3A_571 = arith.index_cast %add3A_569 : i32 to index
      %get3A_572 = tpu.vector_load %arg14[%get3A_570, %get3A_571] {strides = array<i32>} : memref<256x128xf32, #tpu.memory_space<vmem>>, vector<16xf32>,
      %mul3A_573 = arith.mulf %get3A_567, %get3A_572 : vector<16xf32>
      %add3A_574 = arith.addf %mul3A_562, %mul3A_573 : vector<16xf32>
      %broadcast_in_dim3A_575 = arith.constant true
      %broadcast_in_dim3A_576 = vector.broadcast %broadcast_in_dim3A_575 : i1 to vector<16xi1>
      %masked_cumsum3A_577 = tpu.scan <sum>, %add3A_574 masked %broadcast_in_dim3A_576 : vector<16xf32>, vector<16xi1> -> vector<16xf32>
      %add3A_578 = arith.constant 256 : i32
      %add3A_579 = arith.addi %add3A_578, %add3A_551 : i32
      %broadcast_in_dim3A_580 = vector.broadcast %add3A_579 : i32 to vector<16xi32>
      tpu.vector_store_idx %arg15[%broadcast_in_dim3A_580], %masked_cumsum3A_577 masked %eq3A_2 : memref<512xf32, #tpu.memory_space<vmem>>[vector<16xi32>], vector<16xf32>, vector<16xi1>
      %mul3A_581 = arith.constant 16 : i32
      %mul3A_582 = arith.muli %scan3A_176, %mul3A_581 : i32
      %add3A_583 = arith.constant 12 : i32
      %add3A_584 = arith.addi %mul3A_582, %add3A_583 : i32
      %slice3A_585 = vector.extract_strided_slice %get3A_182 {offsets = [12], sizes = [1], strides = [1]} : vector<16xi32> to vector<1xi32>
      %squeeze3A_586 = vector.extract %slice3A_585[0] : i32 from vector<1xi32>
      %slice3A_587 = vector.extract_strided_slice %get3A_188 {offsets = [12], sizes = [1], strides = [1]} : vector<16xi32> to vector<1xi32>
      %squeeze3A_588 = vector.extract %slice3A_587[0] : i32 from vector<1xi32>
      %get3A_589 = arith.index_cast %add3A_584 : i32 to index
      %get3A_590 = arith.index_cast %squeeze3A_586 : i32 to index
      %get3A_591 = tpu.vector_load %arg13[%get3A_589, %get3A_590] {strides = array<i32>} : memref<256x128xf32, #tpu.memory_space<vmem>>, vector<16xf32>,
      %get3A_592 = arith.index_cast %add3A_584 : i32 to index
      %get3A_593 = arith.index_cast %squeeze3A_588 : i32 to index
      %get3A_594 = tpu.vector_load %arg14[%get3A_592, %get3A_593] {strides = array<i32>} : memref<256x128xf32, #tpu.memory_space<vmem>>, vector<16xf32>,
      %mul3A_595 = arith.mulf %get3A_591, %get3A_594 : vector<16xf32>
      %add3A_596 = arith.constant 16 : i32
      %add3A_597 = arith.addi %squeeze3A_586, %add3A_596 : i32
      %get3A_598 = arith.index_cast %add3A_584 : i32 to index
      %get3A_599 = arith.index_cast %add3A_597 : i32 to index
      %get3A_600 = tpu.vector_load %arg13[%get3A_598, %get3A_599] {strides = array<i32>} : memref<256x128xf32, #tpu.memory_space<vmem>>, vector<16xf32>,
      %add3A_601 = arith.constant 16 : i32
      %add3A_602 = arith.addi %squeeze3A_588, %add3A_601 : i32
      %get3A_603 = arith.index_cast %add3A_584 : i32 to index
      %get3A_604 = arith.index_cast %add3A_602 : i32 to index
      %get3A_605 = tpu.vector_load %arg14[%get3A_603, %get3A_604] {strides = array<i32>} : memref<256x128xf32, #tpu.memory_space<vmem>>, vector<16xf32>,
      %mul3A_606 = arith.mulf %get3A_600, %get3A_605 : vector<16xf32>
      %add3A_607 = arith.addf %mul3A_595, %mul3A_606 : vector<16xf32>
      %broadcast_in_dim3A_608 = arith.constant true
      %broadcast_in_dim3A_609 = vector.broadcast %broadcast_in_dim3A_608 : i1 to vector<16xi1>
      %masked_cumsum3A_610 = tpu.scan <sum>, %add3A_607 masked %broadcast_in_dim3A_609 : vector<16xf32>, vector<16xi1> -> vector<16xf32>
      %add3A_611 = arith.constant 256 : i32
      %add3A_612 = arith.addi %add3A_611, %add3A_584 : i32
      %broadcast_in_dim3A_613 = vector.broadcast %add3A_612 : i32 to vector<16xi32>
      tpu.vector_store_idx %arg15[%broadcast_in_dim3A_613], %masked_cumsum3A_610 masked %eq3A_2 : memref<512xf32, #tpu.memory_space<vmem>>[vector<16xi32>], vector<16xf32>, vector<16xi1>
      %mul3A_614 = arith.constant 16 : i32
      %mul3A_615 = arith.muli %scan3A_176, %mul3A_614 : i32
      %add3A_616 = arith.constant 13 : i32
      %add3A_617 = arith.addi %mul3A_615, %add3A_616 : i32
      %slice3A_618 = vector.extract_strided_slice %get3A_182 {offsets = [13], sizes = [1], strides = [1]} : vector<16xi32> to vector<1xi32>
      %squeeze3A_619 = vector.extract %slice3A_618[0] : i32 from vector<1xi32>
      %slice3A_620 = vector.extract_strided_slice %get3A_188 {offsets = [13], sizes = [1], strides = [1]} : vector<16xi32> to vector<1xi32>
      %squeeze3A_621 = vector.extract %slice3A_620[0] : i32 from vector<1xi32>
      %get3A_622 = arith.index_cast %add3A_617 : i32 to index
      %get3A_623 = arith.index_cast %squeeze3A_619 : i32 to index
      %get3A_624 = tpu.vector_load %arg13[%get3A_622, %get3A_623] {strides = array<i32>} : memref<256x128xf32, #tpu.memory_space<vmem>>, vector<16xf32>,
      %get3A_625 = arith.index_cast %add3A_617 : i32 to index
      %get3A_626 = arith.index_cast %squeeze3A_621 : i32 to index
      %get3A_627 = tpu.vector_load %arg14[%get3A_625, %get3A_626] {strides = array<i32>} : memref<256x128xf32, #tpu.memory_space<vmem>>, vector<16xf32>,
      %mul3A_628 = arith.mulf %get3A_624, %get3A_627 : vector<16xf32>
      %add3A_629 = arith.constant 16 : i32
      %add3A_630 = arith.addi %squeeze3A_619, %add3A_629 : i32
      %get3A_631 = arith.index_cast %add3A_617 : i32 to index
      %get3A_632 = arith.index_cast %add3A_630 : i32 to index
      %get3A_633 = tpu.vector_load %arg13[%get3A_631, %get3A_632] {strides = array<i32>} : memref<256x128xf32, #tpu.memory_space<vmem>>, vector<16xf32>,
      %add3A_634 = arith.constant 16 : i32
      %add3A_635 = arith.addi %squeeze3A_621, %add3A_634 : i32
      %get3A_636 = arith.index_cast %add3A_617 : i32 to index
      %get3A_637 = arith.index_cast %add3A_635 : i32 to index
      %get3A_638 = tpu.vector_load %arg14[%get3A_636, %get3A_637] {strides = array<i32>} : memref<256x128xf32, #tpu.memory_space<vmem>>, vector<16xf32>,
      %mul3A_639 = arith.mulf %get3A_633, %get3A_638 : vector<16xf32>
      %add3A_640 = arith.addf %mul3A_628, %mul3A_639 : vector<16xf32>
      %broadcast_in_dim3A_641 = arith.constant true
      %broadcast_in_dim3A_642 = vector.broadcast %broadcast_in_dim3A_641 : i1 to vector<16xi1>
      %masked_cumsum3A_643 = tpu.scan <sum>, %add3A_640 masked %broadcast_in_dim3A_642 : vector<16xf32>, vector<16xi1> -> vector<16xf32>
      %add3A_644 = arith.constant 256 : i32
      %add3A_645 = arith.addi %add3A_644, %add3A_617 : i32
      %broadcast_in_dim3A_646 = vector.broadcast %add3A_645 : i32 to vector<16xi32>
      tpu.vector_store_idx %arg15[%broadcast_in_dim3A_646], %masked_cumsum3A_643 masked %eq3A_2 : memref<512xf32, #tpu.memory_space<vmem>>[vector<16xi32>], vector<16xf32>, vector<16xi1>
      %mul3A_647 = arith.constant 16 : i32
      %mul3A_648 = arith.muli %scan3A_176, %mul3A_647 : i32
      %add3A_649 = arith.constant 14 : i32
      %add3A_650 = arith.addi %mul3A_648, %add3A_649 : i32
      %slice3A_651 = vector.extract_strided_slice %get3A_182 {offsets = [14], sizes = [1], strides = [1]} : vector<16xi32> to vector<1xi32>
      %squeeze3A_652 = vector.extract %slice3A_651[0] : i32 from vector<1xi32>
      %slice3A_653 = vector.extract_strided_slice %get3A_188 {offsets = [14], sizes = [1], strides = [1]} : vector<16xi32> to vector<1xi32>
      %squeeze3A_654 = vector.extract %slice3A_653[0] : i32 from vector<1xi32>
      %get3A_655 = arith.index_cast %add3A_650 : i32 to index
      %get3A_656 = arith.index_cast %squeeze3A_652 : i32 to index
      %get3A_657 = tpu.vector_load %arg13[%get3A_655, %get3A_656] {strides = array<i32>} : memref<256x128xf32, #tpu.memory_space<vmem>>, vector<16xf32>,
      %get3A_658 = arith.index_cast %add3A_650 : i32 to index
      %get3A_659 = arith.index_cast %squeeze3A_654 : i32 to index
      %get3A_660 = tpu.vector_load %arg14[%get3A_658, %get3A_659] {strides = array<i32>} : memref<256x128xf32, #tpu.memory_space<vmem>>, vector<16xf32>,
      %mul3A_661 = arith.mulf %get3A_657, %get3A_660 : vector<16xf32>
      %add3A_662 = arith.constant 16 : i32
      %add3A_663 = arith.addi %squeeze3A_652, %add3A_662 : i32
      %get3A_664 = arith.index_cast %add3A_650 : i32 to index
      %get3A_665 = arith.index_cast %add3A_663 : i32 to index
      %get3A_666 = tpu.vector_load %arg13[%get3A_664, %get3A_665] {strides = array<i32>} : memref<256x128xf32, #tpu.memory_space<vmem>>, vector<16xf32>,
      %add3A_667 = arith.constant 16 : i32
      %add3A_668 = arith.addi %squeeze3A_654, %add3A_667 : i32
      %get3A_669 = arith.index_cast %add3A_650 : i32 to index
      %get3A_670 = arith.index_cast %add3A_668 : i32 to index
      %get3A_671 = tpu.vector_load %arg14[%get3A_669, %get3A_670] {strides = array<i32>} : memref<256x128xf32, #tpu.memory_space<vmem>>, vector<16xf32>,
      %mul3A_672 = arith.mulf %get3A_666, %get3A_671 : vector<16xf32>
      %add3A_673 = arith.addf %mul3A_661, %mul3A_672 : vector<16xf32>
      %broadcast_in_dim3A_674 = arith.constant true
      %broadcast_in_dim3A_675 = vector.broadcast %broadcast_in_dim3A_674 : i1 to vector<16xi1>
      %masked_cumsum3A_676 = tpu.scan <sum>, %add3A_673 masked %broadcast_in_dim3A_675 : vector<16xf32>, vector<16xi1> -> vector<16xf32>
      %add3A_677 = arith.constant 256 : i32
      %add3A_678 = arith.addi %add3A_677, %add3A_650 : i32
      %broadcast_in_dim3A_679 = vector.broadcast %add3A_678 : i32 to vector<16xi32>
      tpu.vector_store_idx %arg15[%broadcast_in_dim3A_679], %masked_cumsum3A_676 masked %eq3A_2 : memref<512xf32, #tpu.memory_space<vmem>>[vector<16xi32>], vector<16xf32>, vector<16xi1>
      %mul3A_680 = arith.constant 16 : i32
      %mul3A_681 = arith.muli %scan3A_176, %mul3A_680 : i32
      %add3A_682 = arith.constant 15 : i32
      %add3A_683 = arith.addi %mul3A_681, %add3A_682 : i32
      %slice3A_684 = vector.extract_strided_slice %get3A_182 {offsets = [15], sizes = [1], strides = [1]} : vector<16xi32> to vector<1xi32>
      %squeeze3A_685 = vector.extract %slice3A_684[0] : i32 from vector<1xi32>
      %slice3A_686 = vector.extract_strided_slice %get3A_188 {offsets = [15], sizes = [1], strides = [1]} : vector<16xi32> to vector<1xi32>
      %squeeze3A_687 = vector.extract %slice3A_686[0] : i32 from vector<1xi32>
      %get3A_688 = arith.index_cast %add3A_683 : i32 to index
      %get3A_689 = arith.index_cast %squeeze3A_685 : i32 to index
      %get3A_690 = tpu.vector_load %arg13[%get3A_688, %get3A_689] {strides = array<i32>} : memref<256x128xf32, #tpu.memory_space<vmem>>, vector<16xf32>,
      %get3A_691 = arith.index_cast %add3A_683 : i32 to index
      %get3A_692 = arith.index_cast %squeeze3A_687 : i32 to index
      %get3A_693 = tpu.vector_load %arg14[%get3A_691, %get3A_692] {strides = array<i32>} : memref<256x128xf32, #tpu.memory_space<vmem>>, vector<16xf32>,
      %mul3A_694 = arith.mulf %get3A_690, %get3A_693 : vector<16xf32>
      %add3A_695 = arith.constant 16 : i32
      %add3A_696 = arith.addi %squeeze3A_685, %add3A_695 : i32
      %get3A_697 = arith.index_cast %add3A_683 : i32 to index
      %get3A_698 = arith.index_cast %add3A_696 : i32 to index
      %get3A_699 = tpu.vector_load %arg13[%get3A_697, %get3A_698] {strides = array<i32>} : memref<256x128xf32, #tpu.memory_space<vmem>>, vector<16xf32>,
      %add3A_700 = arith.constant 16 : i32
      %add3A_701 = arith.addi %squeeze3A_687, %add3A_700 : i32
      %get3A_702 = arith.index_cast %add3A_683 : i32 to index
      %get3A_703 = arith.index_cast %add3A_701 : i32 to index
      %get3A_704 = tpu.vector_load %arg14[%get3A_702, %get3A_703] {strides = array<i32>} : memref<256x128xf32, #tpu.memory_space<vmem>>, vector<16xf32>,
      %mul3A_705 = arith.mulf %get3A_699, %get3A_704 : vector<16xf32>
      %add3A_706 = arith.addf %mul3A_694, %mul3A_705 : vector<16xf32>
      %broadcast_in_dim3A_707 = arith.constant true
      %broadcast_in_dim3A_708 = vector.broadcast %broadcast_in_dim3A_707 : i1 to vector<16xi1>
      %masked_cumsum3A_709 = tpu.scan <sum>, %add3A_706 masked %broadcast_in_dim3A_708 : vector<16xf32>, vector<16xi1> -> vector<16xf32>
      %add3A_710 = arith.constant 256 : i32
      %add3A_711 = arith.addi %add3A_710, %add3A_683 : i32
      %broadcast_in_dim3A_712 = vector.broadcast %add3A_711 : i32 to vector<16xi32>
      tpu.vector_store_idx %arg15[%broadcast_in_dim3A_712], %masked_cumsum3A_709 masked %eq3A_2 : memref<512xf32, #tpu.memory_space<vmem>>[vector<16xi32>], vector<16xf32>, vector<16xi1>
      %scan3A_713 = arith.constant 0 : i32
      scf.yield %scan3A_713 : i32
    }
    %scan3A_173 = arith.constant 16 : i32
    %mul3A_174 = arith.constant 512 : i32
    %mul3A_175 = arith.muli %add3A, %mul3A_174 : i32
    "tpu.region"() ({
      %run_scoped3A = tpu.sem_alloc : memref<!tpu.dma_semaphore, #tpu.memory_space<semaphore_mem>>
      %dma_start3A_176 = tpu.memref_slice %arg8[%mul3A_175] : memref<16384xf32, #tpu.memory_space<hbm>> -> memref<512xf32, #tpu.memory_space<hbm>>
      %dma_start3A_177 = tpu.memref_slice %arg8[%mul3A_175] : memref<16384xf32, #tpu.memory_space<hbm>> -> memref<512xf32, #tpu.memory_space<hbm>>
      tpu.enqueue_dma source(%arg15 : memref<512xf32, #tpu.memory_space<vmem>>) target(%dma_start3A_177 : memref<512xf32, #tpu.memory_space<hbm>>) target_semaphore(%run_scoped3A : memref<!tpu.dma_semaphore, #tpu.memory_space<semaphore_mem>>)
      %dma_wait3A_178 = tpu.memref_slice %arg8[%mul3A_175] : memref<16384xf32, #tpu.memory_space<hbm>> -> memref<512xf32, #tpu.memory_space<hbm>>
      %dma_wait3A_179 = tpu.memref_slice %arg8[%mul3A_175] : memref<16384xf32, #tpu.memory_space<hbm>> -> memref<512xf32, #tpu.memory_space<hbm>>
      tpu.wait_dma2 semaphore(%run_scoped3A : memref<!tpu.dma_semaphore, #tpu.memory_space<semaphore_mem>>) src(%arg15 : memref<512xf32, #tpu.memory_space<vmem>>) dst(%dma_wait3A_179 : memref<512xf32, #tpu.memory_space<hbm>>)
      tpu.yield
    }) : () -> ()
    return
  }
}

</mosaic_0001>

<sc_bundles>
// kernel: kernel.3.cloned.1.call-start
scs
__scs_entry_jumppad:
0x0: {  	(pc) =	sbr.rel $0x88, $3  }
0x1: {  	(tag) =	ssettag $0x0;
	lr =	simm.s32 $0x1  }
0x2: {  	[smem:$0x3F9E] =	sst lr;
	_ =	strace $0xD0000000  }
0x3: {  	_ = 	snop  }
0x4: {  	_ = 	snop  }
0x5: {  	_ = 	snop  }
0x6: {  	_ = 	snop  }
0x7: {  	_ = 	snop  }
__scs_overlays_trampoline_lowered:
0x8: {  	[smem:$0x3FAD] =	sst s0  }
0x9: {  	[smem:$0x3FAE] =	sst s1  }
0xa: {  	[smem:$0x3FAF] =	sst s2  }
0xb: {  	[smem:$0x3FB0] =	sst s3  }
0xc: {  	[smem:$0x3FB1] =	sst s4  }
0xd: {  	[smem:$0x3FB2] =	sst s5  }
0xe: {  	[smem:$0x3FB3] =	sst s6  }
0xf: {  	[smem:$0x3FB4] =	sst s7  }
0x10: {  	[smem:$0x3FB5] =	sst s8  }
0x11: {  	[smem:$0x3FB6] =	sst s9;
	s0 =	simm.s32 @!p0 $0x0  }
0x12: {  	s1 =	sld [smem:$0x3F9C];
	s0 =	simm.s32 @p0 $0x1  }
0x13: {  	[smem:$0x3FB7] =	sst s0;
	s0 =	simm.s32 @!p1 $0x0  }
0x14: {  	s2 =	sld [smem:$0x3F9B];
	s0 =	simm.s32 @p1 $0x1  }
0x15: {  	[smem:$0x3FB8] =	sst s0;
	s0 =	simm.s32 @!p2 $0x0  }
0x16: {  	s3 =	sld [smem:$0x3FDB];
	s0 =	simm.s32 @p2 $0x1  }
0x17: {  	s4 =	simm.s32 $0x1BF5;
	[smem:$0x3FBA] =	sst s0  }
0x18: {  	s0 =	sld [smem:$0x3F9D];
	_ =	swait.ge [sflag:s4], $0x0  }
0x19: {  	s7 =	sld [smem:$0x3F9E]  }
0x1a: {  	s8 =	sadd.s32 $0xFFFFE003, lr  }
0x1b: {  	s9 =	sadd.s32 $0xFFFFFEF7, lr;
	s5 =	simm.s32 $0xFFFFFFFF;
	p2 =	slt.u32 s8, $0xFFFFF086  }
0x1c: {  	p1 =	slt.u32 s9, $0xF7A;
	s5 =	simm.s32 @!p2 $0x0  }
0x1d: {  	s5 =	simm.s32 @p1 $0x1;
	p0 =	seq.s32 s7, s2  }
0x1e: {  	s7 =	smul.u32 @!p0 $0xF7A, s2;
	p2 =	seq.s32 @!p0 s5, $0x0  }
0x1f: {  	s9 =	smul.u32 $0xF7A, s1;
	s8 =	simm.s32 @!p0 $0x1BF5;
	p2 =	por !p2, p0  }
0x20: {  	[sflag:s8] =	ssyncset.s32 @!p0 $0xFFFFF086;
	s6 =	sadd.s32 @!p0 s3, s7;
	s7 =	simm.s32 @!p0 $0x108  }
0x21: {  	s3 =	sadd.s32 s3, s9;
	s6 =	sadd.s32 @!p0 $0x88, s6;
	s7 =	simm.s32 @p2 $0x1082  }
0x22: {  	[simem:s7], [sflag:s8] =	dma.local @!p0 [hbm:s6], $0xF7A  }
0x23: {  	s9 =	sor.u32 $0xD0000000, s2;
	s6 =	simm.s32 $0x108;
	_ =	swait.ge @!p0 [sflag:s8], $0x0  }
0x24: {  	s3 =	sadd.s32 $0x88, s3;
	s6 =	simm.s32 @!p1 $0x1082;
	[sflag:s4] =	ssyncset.s32 $0xFFFFF086  }
0x25: {  	[simem:s6], [sflag:s4] =	dma.local [hbm:s3], $0xF7A  }
0x26: {  	[smem:$0x3F9E] =	sst s1;
	(tag) =	ssettag s2;
	_ =	strace s9  }
0x27: {  	s1 =	sld [smem:$0x3FAE]  }
0x28: {  	s2 =	sld [smem:$0x3FAF]  }
0x29: {  	s4 =	sld [smem:$0x3FB1]  }
0x2a: {  	p0 =	seq.s32 s5, $0x0;
	s5 =	sld [smem:$0x3FB2]  }
0x2b: {  	s6 =	sld [smem:$0x3FB3]  }
0x2c: {  	s7 =	sld [smem:$0x3FB4]  }
0x2d: {  	s3 =	simm.s32 $0x108;
	s8 =	sld [smem:$0x3FB5]  }
0x2e: {  	s3 =	simm.s32 @!p0 $0x1082;
	s9 =	sld [smem:$0x3FB6]  }
0x2f: {  	lr =	sadd.s32 s0, s3;
	s0 =	sld [smem:$0x3FAD]  }
0x30: {  	s3 =	sld [smem:$0x3FB0]  }
0x31: {  	[smem:$0x3FB9] =	sst s10  }
0x32: {  	s10 =	sld [smem:$0x3FB7];
	_ =	sdelay $0x3  }
0x33: {  	p0 =	seq.s32 s10, $0x1;
	s10 =	sld [smem:$0x3FB9];
	_ =	sdelay $0x3  }
0x34: {  	[smem:$0x3FB9] =	sst s10  }
0x35: {  	s10 =	sld [smem:$0x3FB8];
	_ =	sdelay $0x3  }
0x36: {  	p1 =	seq.s32 s10, $0x1;
	s10 =	sld [smem:$0x3FB9];
	_ =	sdelay $0x3  }
0x37: {  	[smem:$0x3FB9] =	sst s10  }
0x38: {  	s10 =	sld [smem:$0x3FBA]  }
0x39: {  	_ = 	snop;
	(pc) =	sbr.ind lr, $3  }
0x3a: {  	_ = 	snop  }
0x3b: {  	_ = 	snop  }
0x3c: {  	p2 =	seq.s32 s10, $0x1;
	s10 =	sld [smem:$0x3FB9]  }
0x3d: {  	_ =	shalt  }
0x3e: {  	_ =	shalt  }
0x3f: {  	_ =	shalt  }
0x40: {  	_ =	shalt  }
0x41: {  	_ =	shalt  }
0x42: {  	_ =	shalt  }
0x43: {  	_ =	shalt  }
0x44: {  	_ =	shalt  }
0x45: {  	_ =	shalt  }
0x46: {  	_ =	shalt  }
0x47: {  	_ =	shalt  }
0x48: {  	_ =	shalt  }
0x49: {  	_ =	shalt  }
0x4a: {  	_ =	shalt  }
0x4b: {  	_ =	shalt  }
0x4c: {  	_ =	shalt  }
0x4d: {  	_ =	shalt  }
0x4e: {  	_ =	shalt  }
0x4f: {  	_ =	shalt  }
0x50: {  	_ =	shalt  }
0x51: {  	_ =	shalt  }
0x52: {  	_ =	shalt  }
0x53: {  	_ =	shalt  }
0x54: {  	_ =	shalt  }
0x55: {  	_ =	shalt  }
0x56: {  	_ =	shalt  }
0x57: {  	_ =	shalt  }
0x58: {  	_ =	shalt  }
0x59: {  	_ =	shalt  }
0x5a: {  	_ =	shalt  }
0x5b: {  	_ =	shalt  }
0x5c: {  	_ =	shalt  }
0x5d: {  	_ =	shalt  }
0x5e: {  	_ =	shalt  }
0x5f: {  	_ =	shalt  }
0x60: {  	_ =	shalt  }
0x61: {  	_ =	shalt  }
0x62: {  	_ =	shalt  }
0x63: {  	_ =	shalt  }
0x64: {  	_ =	shalt  }
0x65: {  	_ =	shalt  }
0x66: {  	_ =	shalt  }
0x67: {  	_ =	shalt  }
0x68: {  	_ =	shalt  }
0x69: {  	_ =	shalt  }
0x6a: {  	_ =	shalt  }
0x6b: {  	_ =	shalt  }
0x6c: {  	_ =	shalt  }
0x6d: {  	_ =	shalt  }
0x6e: {  	_ =	shalt  }
0x6f: {  	_ =	shalt  }
0x70: {  	_ =	shalt  }
0x71: {  	_ =	shalt  }
0x72: {  	_ =	shalt  }
0x73: {  	_ =	shalt  }
0x74: {  	_ =	shalt  }
0x75: {  	_ =	shalt  }
0x76: {  	_ =	shalt  }
0x77: {  	_ =	shalt  }
0x78: {  	_ =	shalt  }
0x79: {  	_ =	shalt  }
0x7a: {  	_ =	shalt  }
0x7b: {  	_ =	shalt  }
0x7c: {  	_ =	shalt  }
0x7d: {  	_ =	shalt  }
0x7e: {  	_ =	shalt  }
0x7f: {  	_ =	shalt  }
0x80: {  	_ =	shalt  }
0x81: {  	_ =	shalt  }
0x82: {  	_ =	shalt  }
0x83: {  	_ =	shalt  }
0x84: {  	_ =	shalt  }
0x85: {  	_ =	shalt  }
0x86: {  	_ =	shalt  }
0x87: {  	_ =	shalt  }
.Lfunc_end0:
.L_simem_size_0:
called_computation_lowered:
.L_overlay_start_0:
0x88: {  	s2 =	sld [smem:$0x3FD9]  }
0x89: {  	s3 =	sld [smem:$0x3FFE];
	_ =	sdelay $0x1  }
0x8a: {  	s1 =	srdreg.scid  }
0x8b: {  	s0 =	sand.u32 $0x1, s1  }
0x8c: {  	s17 =	sshll.u32 s0, $0xA;
	s2 =	sadd.s32 s3, s2  }
0x8d: {  	s2 =	sadd.s32 s2, s17  }
0x8e: {  	[smem:$0x3FC5] =	sst s2  }
0x8f: {  	_ = 	snop  }
0x90: {  	s2 =	sld [smem:$0x3FD0];
	(tm) =	ssettm $0x1  }
0x91: {  	s18 =	sld [smem:$0x3FFB];
	_ =	sdelay $0x3  }
0x92: {  	_ =	strace s18  }
0x93: {  	s3 =	sld [smem:$0x3FFC];
	_ =	sdelay $0x3  }
0x94: {  	_ =	strace s3  }
0x95: {  	s3 =	sld [smem:$0x3FFD];
	_ =	sdelay $0x3  }
0x96: {  	_ =	strace s3  }
0x97: {  	_ =	strace $0x8FFFFFFF  }
0x98: {  	s19 =	sld [smem:$0x3FDB];
	_ =	sdelay $0x1  }
0x99: {  	s4 =	simm.s32 $_scs_section_size  }
0x9a: {  	s5 =	simm.s32 $_size__tile_overlayer_lowered;
	s6 =	simm.s32 $_tile_overlayer_lowered  }
0x9b: {  	s22 =	simm.s32 $0x1BFF;
	s21 =	sshll.u32 s6, $0x1;
	s3 =	sadd.s32 s4, s19  }
0x9c: {  	s7 =	simm.s32 $0x0;
	s20 =	sshll.u32 s5, $0x1;
	s5 =	sadd.s32 s21, s3  }
0x9d: {  	[timem:s7], [sflag:s22] =	dma.local [hbm:s5], s20  }
0x9e: {  	_ =	swait.ge [sflag:s22], s20  }
0x9f: {  	s4 =	ssub.s32 $0x0, s20;
	[sflag:s22] =	ssyncset.done $0x0  }
0xa0: {  	[sflag:s22] =	ssyncadd.s32 s4;
	_ =	sdelay $0x1  }
0xa1: {  	s23 =	simm.s32 $0x1B8B  }
0xa2: {  	_ =	swait.ge [sflag:s23], $0x1  }
0xa3: {  	[sflag:s23] =	ssyncset.done $0x0  }
0xa4: {  	s25 =	simm.s32 $0x1B8E;
	s24 =	sld [smem:$0x3FFE];
	[sflag:s23] =	ssyncadd.s32 $0xFFFFFFFF  }
0xa5: {  	s26 =	simm.s32 $execute0_lowered;
	[smem:$0x3FD2] =	sst s25  }
0xa6: {  	s5 =	sshll.u32 s26, $0x1;
	_ =	strace $0x80000046;
	[dreg:$0x1] =	wrdreg $0xFFFFFFFF  }
0xa7: {  	s28 =	simm.s32 $_size_execute0_lowered;
	s3 =	sadd.s32 s3, s5;
	[dreg:$0x0] =	wrdreg $0x0  }
0xa8: {  	s5 =	sshll.u32 s28, $0x1;
	[dreg:$0x2] =	wrdreg s3  }
0xa9: {  	[dreg:$0x3] =	wrdreg s5  }
0xaa: {  	[dreg:$0x4] =	wrdreg $0xC0  }
0xab: {  	_ =	task [dreg:s7], $0x5FFFF  }
0xac: {  	[dreg:$0x1] =	wrdreg $0xFFFFFFFF  }
0xad: {  	[dreg:$0x0] =	wrdreg $0x60  }
0xae: {  	[dreg:$0x2] =	wrdreg s24  }
0xaf: {  	[dreg:$0x3] =	wrdreg s2  }
0xb0: {  	[dreg:$0x4] =	wrdreg $0x9  }
0xb1: {  	_ =	task.clear_ibuf [dreg:s7], $0x5FFFF;
	_ =	strace $0x90000046  }
0xb2: {  	s29 =	simm.s32 $0x9;
	_ =	strace $0x80000048  }
0xb3: {  	_ =	swait.ge [sflag:s29], $0x1  }
0xb4: {  	[sflag:s29] =	ssyncadd.s32 $0xFFFFFFFF  }
0xb5: {  	_ =	strace $0x90000048  }
0xb6: {  	_ =	sfence  }
0xb7: {  	s30 =	sld [smem:$0x0];
	_ =	sdelay $0x2  }
0xb8: {  	s31 =	sshll.u32 s1, $0xD;
	s1 =	sshrl.u32 s1, $0x2  }
0xb9: {  	s3 =	sand.u32 $0x4000, s31;
	s1 =	sadd.s32 s1, s30  }
0xba: {  	s0 =	sor.u32 s3, s0;
	s1 =	sshll.u32 s1, $0x11  }
0xbb: {  	s0 =	sor.u32 s1, s0  }
0xbc: {  	s0 =	sadd.s32 $0x8F2B, s0  }
0xbd: {  	[sflag:s0] =	ssyncadd.remote.s32 $0x1  }
0xbe: {  	_ =	sfence.sel $0xFFFF  }
0xbf: {  	[dreg:$0x0] =	wrdreg $0xFFFFFFFF;
	(pc) =	sbr.abs _section_cstart, $3  }
0xc0: {  	[dreg:$0x1] =	wrdreg $0xFFFFFFFF  }
0xc1: {  	_ =	task.clear_ibuf [dreg:s7], $0x2FFFF;
	_ =	strace $0x9FFFFFFF  }
0xc2: {  	(tm) =	ssettm $0x7FFFFFFF  }
0xc3: {  	_ =	shalt  }
tec
execute0_lowered:
.L_overlay_start_1:
0x0: {  	(tag) =	ssettag $0x1  }
0x1: {  	s4 =	rddreg [dreg:$0x0]  }
0x2: {  	s9 =	rddreg [dreg:$0x1];
	s2 =	srdreg.scid  }
0x3: {  	s0 =	stileid.u32;
	s12 =	simm.s32 $0x200;
	s13 =	simm.s32 $0x80  }
0x4: {  	s14 =	simm.s32 $0x800;
	s15 =	simm.s32 $0x8800;
	s16 =	simm.s32 $0x4800  }
0x5: {  	s18 =	simm.s32 $0xC800;
	s19 =	simm.s32 $0x1;
	s20 =	simm.s32 $0x10800  }
0x6: {  	s22 =	simm.s32 $0x300;
	s23 =	simm.s32 $0x180;
	s24 =	simm.s32 $0x380  }
0x7: {  	s25 =	simm.s32 $0x0;
	s3 =	sand.u32 $0x1, s2;
	s2 =	simm.s32 $0x0  }
0x8: {  	s5 =	sshll.u32 s0, $0x7;
	s6 =	sshll.u32 s3, $0x6;
	[smem:$0x7FF] =	sst s2  }
0x9: {  	s30 =	ssub.s32 $0x2, s3;
	s3 =	sadd.s32 $0xF44A00, s4;
	s10 =	sor.u32 s6, s5  }
0xa: {  	_ =	strace $0x80000047;
	s31 =	sshrl.u32 s30, $0x1;
	s8 =	sadd.s32 s10, s4  }
0xb: {  	s4 =	sadd.s32 $0x1315400, s4;
	s11 =	ssub.s32 s30, s31;
	s9 =	sadd.s32 s9, s10  }
0xc: {  	v0 =	vimm.s32 $0x0;
	vm0 =	vcmask $0x300;
	s5 =	sadd.s32 $0xE00, s8;
	s6 =	sadd.s32 $0x1600, s8;
	s7 =	sadd.s32 $0x1E00, s8  }
0xd: {  	v0 =	vsel vm0, $0x3, v0;
	vm0 =	vcmask $0x3F3C;
	s8 =	sadd.s32 $0x600, s8;
	s10 =	smax.u32 s11, $0x1;
	s11 =	simm.s32 $0x2  }
.LBB2_1:
0xe: {  	[tilespmem:s2], [sflag:$0x2] =	stream.linear.gather [hbm4b:s5+s2], $0x200, $0x38;
	[tilespmem:$0x10A00] =	vst v63  }
0xf: {  	_ =	swait.ge [sflag:s11], $0x200  }
0x10: {  	[sflag:s11] =	ssyncset.done $0x0  }
0x11: {  	[sflag:s11] =	ssyncadd.s32 $0xFFFFFE00  }
0x12: {  	[tilespmem:s12], [sflag:$0x2] =	stream.linear.gather [hbm4b:s6+s2], $0x200, $0x38;
	[tilespmem:$0x10A00] =	vst v63  }
0x13: {  	_ =	swait.ge [sflag:s11], $0x200  }
0x14: {  	[sflag:s11] =	ssyncset.done $0x0  }
0x15: {  	s26 =	simm.s32 $0x400;
	[sflag:s11] =	ssyncadd.s32 $0xFFFFFE00  }
0x16: {  	[tilespmem:s26], [sflag:$0x2] =	stream.linear.gather [hbm4b:s7+s2], $0x200, $0x38;
	[tilespmem:$0x10A00] =	vst v63  }
0x17: {  	_ =	swait.ge [sflag:s11], $0x200  }
0x18: {  	[sflag:s11] =	ssyncset.done $0x0  }
0x19: {  	s28 =	simm.s32 $0x600;
	[sflag:s11] =	ssyncadd.s32 $0xFFFFFE00  }
0x1a: {  	[tilespmem:s28], [sflag:$0x2] =	stream.linear.gather [hbm4b:s8+s2], $0x200, $0x38;
	[tilespmem:$0x10A00] =	vst v63  }
0x1b: {  	_ =	swait.ge [sflag:s11], $0x200  }
0x1c: {  	[sflag:s11] =	ssyncset.done $0x0  }
0x1d: {  	[sflag:s11] =	ssyncadd.s32 $0xFFFFFE00  }
0x1e: {  	[tilespmem:s14], [sflag:$0x1] =	stream.indirect.gather [hbm4b:s3+s13], $0x80, s2, s13, $0xb8;
	[tilespmem:$0x10A00] =	vst v63  }
0x1f: {  	_ = 	snop  }
0x20: {  	[tilespmem:s15], [sflag:$0x1] =	stream.indirect.gather [hbm4b:s4+s13], $0x80, s12, s13, $0xb8;
	[tilespmem:$0x10A00] =	vst v63  }
0x21: {  	_ = 	snop  }
0x22: {  	[tilespmem:s16], [sflag:$0x1] =	stream.indirect.gather [hbm4b:s3+s13], $0x80, s13, s13, $0xb8;
	[tilespmem:$0x10A00] =	vst v63  }
0x23: {  	s0 =	simm.s32 $0x280  }
0x24: {  	[tilespmem:s18], [sflag:$0x1] =	stream.indirect.gather [hbm4b:s4+s13], $0x80, s0, s13, $0xb8;
	[tilespmem:$0x10A00] =	vst v63  }
0x25: {  	_ =	swait.ge [sflag:s19], $0x4000  }
0x26: {  	[sflag:s19] =	ssyncset.done $0x0  }
0x27: {  	[sflag:s19] =	ssyncadd.s32 $0xFFFFC000  }
0x28: {  	_ =	swait.ge [sflag:s19], $0x4000  }
0x29: {  	[sflag:s19] =	ssyncset.done $0x0  }
0x2a: {  	[sflag:s19] =	ssyncadd.s32 $0xFFFFC000  }
0x2b: {  	_ =	swait.ge [sflag:s19], $0x4000  }
0x2c: {  	[sflag:s19] =	ssyncset.done $0x0  }
0x2d: {  	[sflag:s19] =	ssyncadd.s32 $0xFFFFC000  }
0x2e: {  	_ =	swait.ge [sflag:s19], $0x4000  }
0x2f: {  	[sflag:s19] =	ssyncset.done $0x0  }
0x30: {  	s29 =	simm.s32 $0xF;
	s30 =	simm.s32 $0x0;
	[sflag:s19] =	ssyncadd.s32 $0xFFFFC000  }
.LBB2_2:
0x31: {  	v2 =	vld [tilespmem:s26+$0x0];
	_ =	sdelay $0x1  }
0x32: {  	v1 =	vld [tilespmem:s28+$0x0];
	_ =	sdelay $0x2  }
0x33: {  	(v2sf) =	vpush v2, $0x0;
	_ =	sdelay $0x1  }
0x34: {  	(v2sf) =	vpush v1, $0x0;
	_ =	sdelay $0xc  }
0x35: {  	s31 =	spop (v2sf)  }
0x36: {  	s0 =	sshll.u32 s31, $0x2  }
0x37: {  	s1 =	spop (v2sf);
	s31 =	sand.u32 $0x7, s31;
	s0 =	sand.u32 $0xFFFFFFE0, s0  }
0x38: {  	s31 =	sshll.u32 s31, $0x2;
	s17 =	sand.u32 $0x7, s1;
	s1 =	sshll.u32 s1, $0x2  }
0x39: {  	s0 =	sor.u32 s31, s0;
	s1 =	sand.u32 $0xFFFFFFE0, s1  }
0x3a: {  	s17 =	sshll.u32 s17, $0x2;
	s31 =	sshra.s32 s30, $0x2;
	s0 =	sshra.s32 s0, $0x2  }
0x3b: {  	s1 =	sor.u32 s17, s1;
	s0 =	sadd.s32 s31, s0  }
0x3c: {  	s1 =	sshra.s32 s1, $0x2;
	v3 =	vld [tilespmem:s0+$0x800]  }
0x3d: {  	s1 =	sadd.s32 s31, s1;
	v5 =	vld [tilespmem:s0+$0x810]  }
0x3e: {  	(v2sf) =	vpush v2, $0x1;
	v4 =	vld [tilespmem:s1+$0x8800]  }
0x3f: {  	v6 =	vld [tilespmem:s1+$0x8810]  }
0x40: {  	(v2sf) =	vpush v1, $0x1;
	_ =	sdelay $0x3  }
0x41: {  	v3 =	vmul.f32 v4, v3;
	v8 =	vmul.f32 v6, v5;
	_ =	sdelay $0x1  }
0x42: {  	v3 =	vadd.f32 v8, v3;
	_ =	sdelay $0x1  }
0x43: {  	(xrf2) =	vadd.scan.msk.f32 $0xffff, v3  }
0x44: {  	s21 =	sadd.s32 $0xFFFFFFF1, s29  }
0x45: {  	v3 =	vmov s21  }
0x46: {  	v3 =	vshrl.u32 v3, $0x3  }
0x47: {  	v3 =	vshll.u32 v3, v0  }
0x48: {  	s1 =	spop (v2sf);
	v3 =	vbroadcast v3, $0x0  }
0x49: {  	s21 =	sshll.u32 s1, $0x2  }
0x4a: {  	s17 =	spop (v2sf);
	s0 =	sand.u32 $0x7, s1;
	s1 =	sand.u32 $0xFFFFFFE0, s21  }
0x4b: {  	s0 =	sshll.u32 s0, $0x2;
	s21 =	sand.u32 $0x7, s17;
	s17 =	sshll.u32 s17, $0x2  }
0x4c: {  	s0 =	sor.u32 s0, s1;
	s17 =	sand.u32 $0xFFFFFFE0, s17;
	s21 =	sshll.u32 s21, $0x2  }
0x4d: {  	s0 =	sshra.s32 s0, $0x2;
	s1 =	sor.u32 s21, s17;
	v9, _, _ =	vpop (xrf2)  }
0x4e: {  	s0 =	sadd.s32 s31, s0;
	s1 =	sshra.s32 s1, $0x2;
	[tilespmem:v3+s20+$0x0] =	vst.idx.msk vm0, v9  }
0x4f: {  	s1 =	sadd.s32 s31, s1;
	v3 =	vld [tilespmem:s0+$0x880]  }
0x50: {  	v4 =	vld [tilespmem:s1+$0x8880]  }
0x51: {  	(v2sf) =	vpush v2, $0x2;
	v10 =	vld [tilespmem:s0+$0x890]  }
0x52: {  	v11 =	vld [tilespmem:s1+$0x8890]  }
0x53: {  	(v2sf) =	vpush v1, $0x2;
	_ =	sdelay $0x3  }
0x54: {  	v3 =	vmul.f32 v4, v3;
	v12 =	vmul.f32 v11, v10;
	_ =	sdelay $0x1  }
0x55: {  	v3 =	vadd.f32 v12, v3;
	_ =	sdelay $0x1  }
0x56: {  	s21 =	sadd.s32 $0xFFFFFFF2, s29;
	(xrf2) =	vadd.scan.msk.f32 $0xffff, v3  }
0x57: {  	v3 =	vmov s21  }
0x58: {  	v3 =	vshrl.u32 v3, $0x3  }
0x59: {  	v3 =	vshll.u32 v3, v0  }
0x5a: {  	v3 =	vadd.s32 $0x1, v3  }
0x5b: {  	s1 =	spop (v2sf);
	v3 =	vbroadcast v3, $0x0  }
0x5c: {  	s0 =	sand.u32 $0x7, s1  }
0x5d: {  	s17 =	spop (v2sf);
	s0 =	sshll.u32 s0, $0x2;
	s21 =	sshll.u32 s1, $0x2  }
0x5e: {  	s1 =	sand.u32 $0xFFFFFFE0, s21;
	s21 =	sand.u32 $0x7, s17;
	s17 =	sshll.u32 s17, $0x2  }
0x5f: {  	s0 =	sor.u32 s0, s1;
	s17 =	sand.u32 $0xFFFFFFE0, s17;
	s21 =	sshll.u32 s21, $0x2  }
0x60: {  	s0 =	sshra.s32 s0, $0x2;
	s1 =	sor.u32 s21, s17;
	v13, _, _ =	vpop (xrf2)  }
0x61: {  	s0 =	sadd.s32 s31, s0;
	s1 =	sshra.s32 s1, $0x2;
	[tilespmem:v3+s20+$0x0] =	vst.idx.msk vm0, v13  }
0x62: {  	s1 =	sadd.s32 s31, s1;
	v3 =	vld [tilespmem:s0+$0x900]  }
0x63: {  	v4 =	vld [tilespmem:s1+$0x8900]  }
0x64: {  	(v2sf) =	vpush v2, $0x3;
	v14 =	vld [tilespmem:s0+$0x910]  }
0x65: {  	v15 =	vld [tilespmem:s1+$0x8910]  }
0x66: {  	(v2sf) =	vpush v1, $0x3;
	_ =	sdelay $0x3  }
0x67: {  	v3 =	vmul.f32 v4, v3;
	v16 =	vmul.f32 v15, v14;
	_ =	sdelay $0x1  }
0x68: {  	v3 =	vadd.f32 v16, v3;
	_ =	sdelay $0x1  }
0x69: {  	s21 =	sadd.s32 $0xFFFFFFF3, s29;
	(xrf2) =	vadd.scan.msk.f32 $0xffff, v3  }
0x6a: {  	v3 =	vmov s21  }
0x6b: {  	v3 =	vshrl.u32 v3, $0x3  }
0x6c: {  	v3 =	vshll.u32 v3, v0  }
0x6d: {  	v3 =	vadd.s32 $0x2, v3  }
0x6e: {  	s1 =	spop (v2sf);
	v3 =	vbroadcast v3, $0x0  }
0x6f: {  	s0 =	sand.u32 $0x7, s1  }
0x70: {  	s17 =	spop (v2sf);
	s0 =	sshll.u32 s0, $0x2;
	s21 =	sshll.u32 s1, $0x2  }
0x71: {  	s1 =	sand.u32 $0xFFFFFFE0, s21;
	s21 =	sand.u32 $0x7, s17;
	s17 =	sshll.u32 s17, $0x2  }
0x72: {  	s0 =	sor.u32 s0, s1;
	s17 =	sand.u32 $0xFFFFFFE0, s17;
	s21 =	sshll.u32 s21, $0x2  }
0x73: {  	s0 =	sshra.s32 s0, $0x2;
	s1 =	sor.u32 s21, s17;
	v17, _, _ =	vpop (xrf2)  }
0x74: {  	s0 =	sadd.s32 s31, s0;
	s1 =	sshra.s32 s1, $0x2;
	[tilespmem:v3+s20+$0x0] =	vst.idx.msk vm0, v17  }
0x75: {  	s1 =	sadd.s32 s31, s1;
	v3 =	vld [tilespmem:s0+$0x980]  }
0x76: {  	v4 =	vld [tilespmem:s1+$0x8980]  }
0x77: {  	(v2sf) =	vpush v2, $0x4;
	v18 =	vld [tilespmem:s0+$0x990]  }
0x78: {  	v19 =	vld [tilespmem:s1+$0x8990]  }
0x79: {  	(v2sf) =	vpush v1, $0x4;
	_ =	sdelay $0x3  }
0x7a: {  	v3 =	vmul.f32 v4, v3;
	v20 =	vmul.f32 v19, v18;
	_ =	sdelay $0x1  }
0x7b: {  	v3 =	vadd.f32 v20, v3;
	_ =	sdelay $0x1  }
0x7c: {  	s21 =	sadd.s32 $0xFFFFFFF4, s29;
	(xrf2) =	vadd.scan.msk.f32 $0xffff, v3  }
0x7d: {  	v3 =	vmov s21  }
0x7e: {  	v3 =	vshrl.u32 v3, $0x3  }
0x7f: {  	v3 =	vshll.u32 v3, v0  }
0x80: {  	v3 =	vadd.s32 $0x3, v3  }
0x81: {  	s1 =	spop (v2sf);
	v3 =	vbroadcast v3, $0x0  }
0x82: {  	s0 =	sand.u32 $0x7, s1  }
0x83: {  	s17 =	spop (v2sf);
	s0 =	sshll.u32 s0, $0x2;
	s21 =	sshll.u32 s1, $0x2  }
0x84: {  	s1 =	sand.u32 $0xFFFFFFE0, s21;
	s21 =	sand.u32 $0x7, s17;
	s17 =	sshll.u32 s17, $0x2  }
0x85: {  	s0 =	sor.u32 s0, s1;
	s17 =	sand.u32 $0xFFFFFFE0, s17;
	s21 =	sshll.u32 s21, $0x2  }
0x86: {  	s0 =	sshra.s32 s0, $0x2;
	s1 =	sor.u32 s21, s17;
	v21, _, _ =	vpop (xrf2)  }
0x87: {  	s0 =	sadd.s32 s31, s0;
	s1 =	sshra.s32 s1, $0x2;
	[tilespmem:v3+s20+$0x0] =	vst.idx.msk vm0, v21  }
0x88: {  	s1 =	sadd.s32 s31, s1;
	v3 =	vld [tilespmem:s0+$0xA00]  }
0x89: {  	v4 =	vld [tilespmem:s1+$0x8A00]  }
0x8a: {  	(v2sf) =	vpush v2, $0x5;
	v22 =	vld [tilespmem:s0+$0xA10]  }
0x8b: {  	v23 =	vld [tilespmem:s1+$0x8A10]  }
0x8c: {  	(v2sf) =	vpush v1, $0x5;
	_ =	sdelay $0x3  }
0x8d: {  	v3 =	vmul.f32 v4, v3;
	v24 =	vmul.f32 v23, v22;
	_ =	sdelay $0x1  }
0x8e: {  	v3 =	vadd.f32 v24, v3;
	_ =	sdelay $0x1  }
0x8f: {  	s21 =	sadd.s32 $0xFFFFFFF5, s29;
	(xrf2) =	vadd.scan.msk.f32 $0xffff, v3  }
0x90: {  	v3 =	vmov s21  }
0x91: {  	v3 =	vshrl.u32 v3, $0x3  }
0x92: {  	v3 =	vshll.u32 v3, v0  }
0x93: {  	v3 =	vadd.s32 $0x4, v3  }
0x94: {  	s1 =	spop (v2sf);
	v3 =	vbroadcast v3, $0x0  }
0x95: {  	s0 =	sand.u32 $0x7, s1  }
0x96: {  	s17 =	spop (v2sf);
	s0 =	sshll.u32 s0, $0x2;
	s21 =	sshll.u32 s1, $0x2  }
0x97: {  	s1 =	sand.u32 $0xFFFFFFE0, s21;
	s21 =	sand.u32 $0x7, s17;
	s17 =	sshll.u32 s17, $0x2  }
0x98: {  	s0 =	sor.u32 s0, s1;
	s17 =	sand.u32 $0xFFFFFFE0, s17;
	s21 =	sshll.u32 s21, $0x2  }
0x99: {  	s0 =	sshra.s32 s0, $0x2;
	s1 =	sor.u32 s21, s17;
	v25, _, _ =	vpop (xrf2)  }
0x9a: {  	s0 =	sadd.s32 s31, s0;
	s1 =	sshra.s32 s1, $0x2;
	[tilespmem:v3+s20+$0x0] =	vst.idx.msk vm0, v25  }
0x9b: {  	s1 =	sadd.s32 s31, s1;
	v3 =	vld [tilespmem:s0+$0xA80]  }
0x9c: {  	v4 =	vld [tilespmem:s1+$0x8A80]  }
0x9d: {  	(v2sf) =	vpush v2, $0x6;
	v26 =	vld [tilespmem:s0+$0xA90]  }
0x9e: {  	v27 =	vld [tilespmem:s1+$0x8A90]  }
0x9f: {  	(v2sf) =	vpush v1, $0x6;
	_ =	sdelay $0x3  }
0xa0: {  	v3 =	vmul.f32 v4, v3;
	v28 =	vmul.f32 v27, v26;
	_ =	sdelay $0x1  }
0xa1: {  	v3 =	vadd.f32 v28, v3;
	_ =	sdelay $0x1  }
0xa2: {  	s21 =	sadd.s32 $0xFFFFFFF6, s29;
	(xrf2) =	vadd.scan.msk.f32 $0xffff, v3  }
0xa3: {  	v3 =	vmov s21  }
0xa4: {  	v3 =	vshrl.u32 v3, $0x3  }
0xa5: {  	v3 =	vshll.u32 v3, v0  }
0xa6: {  	v3 =	vadd.s32 $0x5, v3  }
0xa7: {  	s1 =	spop (v2sf);
	v3 =	vbroadcast v3, $0x0  }
0xa8: {  	s0 =	sand.u32 $0x7, s1  }
0xa9: {  	s17 =	spop (v2sf);
	s0 =	sshll.u32 s0, $0x2;
	s21 =	sshll.u32 s1, $0x2  }
0xaa: {  	s1 =	sand.u32 $0xFFFFFFE0, s21;
	s21 =	sand.u32 $0x7, s17;
	s17 =	sshll.u32 s17, $0x2  }
0xab: {  	s0 =	sor.u32 s0, s1;
	s17 =	sand.u32 $0xFFFFFFE0, s17;
	s21 =	sshll.u32 s21, $0x2  }
0xac: {  	s0 =	sshra.s32 s0, $0x2;
	s1 =	sor.u32 s21, s17;
	v29, _, _ =	vpop (xrf2)  }
0xad: {  	s0 =	sadd.s32 s31, s0;
	s1 =	sshra.s32 s1, $0x2;
	[tilespmem:v3+s20+$0x0] =	vst.idx.msk vm0, v29  }
0xae: {  	s1 =	sadd.s32 s31, s1;
	v3 =	vld [tilespmem:s0+$0xB00]  }
0xaf: {  	v4 =	vld [tilespmem:s1+$0x8B00]  }
0xb0: {  	(v2sf) =	vpush v2, $0x7;
	v30 =	vld [tilespmem:s0+$0xB10]  }
0xb1: {  	v31 =	vld [tilespmem:s1+$0x8B10]  }
0xb2: {  	(v2sf) =	vpush v1, $0x7;
	_ =	sdelay $0x3  }
0xb3: {  	v3 =	vmul.f32 v4, v3;
	v32 =	vmul.f32 v31, v30;
	_ =	sdelay $0x1  }
0xb4: {  	v3 =	vadd.f32 v32, v3;
	_ =	sdelay $0x1  }
0xb5: {  	s21 =	sadd.s32 $0xFFFFFFF7, s29;
	(xrf2) =	vadd.scan.msk.f32 $0xffff, v3  }
0xb6: {  	v3 =	vmov s21  }
0xb7: {  	v3 =	vshrl.u32 v3, $0x3  }
0xb8: {  	v3 =	vshll.u32 v3, v0  }
0xb9: {  	v3 =	vadd.s32 $0x6, v3  }
0xba: {  	s1 =	spop (v2sf);
	v3 =	vbroadcast v3, $0x0  }
0xbb: {  	s0 =	sand.u32 $0x7, s1  }
0xbc: {  	s17 =	spop (v2sf);
	s0 =	sshll.u32 s0, $0x2;
	s21 =	sshll.u32 s1, $0x2  }
0xbd: {  	s1 =	sand.u32 $0xFFFFFFE0, s21;
	s21 =	sand.u32 $0x7, s17;
	s17 =	sshll.u32 s17, $0x2  }
0xbe: {  	s0 =	sor.u32 s0, s1;
	s17 =	sand.u32 $0xFFFFFFE0, s17;
	s21 =	sshll.u32 s21, $0x2  }
0xbf: {  	s0 =	sshra.s32 s0, $0x2;
	s1 =	sor.u32 s21, s17;
	v33, _, _ =	vpop (xrf2)  }
0xc0: {  	s0 =	sadd.s32 s31, s0;
	s1 =	sshra.s32 s1, $0x2;
	[tilespmem:v3+s20+$0x0] =	vst.idx.msk vm0, v33  }
0xc1: {  	s1 =	sadd.s32 s31, s1;
	v3 =	vld [tilespmem:s0+$0xB80]  }
0xc2: {  	v4 =	vld [tilespmem:s1+$0x8B80]  }
0xc3: {  	(v2sf) =	vpush v2, $0x8;
	v34 =	vld [tilespmem:s0+$0xB90]  }
0xc4: {  	v35 =	vld [tilespmem:s1+$0x8B90]  }
0xc5: {  	(v2sf) =	vpush v1, $0x8;
	_ =	sdelay $0x3  }
0xc6: {  	v3 =	vmul.f32 v4, v3;
	v36 =	vmul.f32 v35, v34;
	_ =	sdelay $0x1  }
0xc7: {  	v3 =	vadd.f32 v36, v3;
	_ =	sdelay $0x1  }
0xc8: {  	s21 =	sadd.s32 $0xFFFFFFF8, s29;
	(xrf2) =	vadd.scan.msk.f32 $0xffff, v3  }
0xc9: {  	v3 =	vmov s21  }
0xca: {  	v3 =	vshrl.u32 v3, $0x3  }
0xcb: {  	v3 =	vshll.u32 v3, v0  }
0xcc: {  	v3 =	vadd.s32 $0x7, v3  }
0xcd: {  	s1 =	spop (v2sf);
	v3 =	vbroadcast v3, $0x0  }
0xce: {  	s0 =	sand.u32 $0x7, s1  }
0xcf: {  	s17 =	spop (v2sf);
	s0 =	sshll.u32 s0, $0x2;
	s21 =	sshll.u32 s1, $0x2  }
0xd0: {  	s1 =	sand.u32 $0xFFFFFFE0, s21;
	s21 =	sand.u32 $0x7, s17;
	s17 =	sshll.u32 s17, $0x2  }
0xd1: {  	s0 =	sor.u32 s0, s1;
	s17 =	sand.u32 $0xFFFFFFE0, s17;
	s21 =	sshll.u32 s21, $0x2  }
0xd2: {  	s0 =	sshra.s32 s0, $0x2;
	s1 =	sor.u32 s21, s17;
	v37, _, _ =	vpop (xrf2)  }
0xd3: {  	s0 =	sadd.s32 s31, s0;
	s1 =	sshra.s32 s1, $0x2;
	[tilespmem:v3+s20+$0x0] =	vst.idx.msk vm0, v37  }
0xd4: {  	s1 =	sadd.s32 s31, s1;
	v3 =	vld [tilespmem:s0+$0xC00]  }
0xd5: {  	v4 =	vld [tilespmem:s1+$0x8C00]  }
0xd6: {  	(v2sf) =	vpush v2, $0x9;
	v38 =	vld [tilespmem:s0+$0xC10]  }
0xd7: {  	v39 =	vld [tilespmem:s1+$0x8C10]  }
0xd8: {  	(v2sf) =	vpush v1, $0x9;
	_ =	sdelay $0x3  }
0xd9: {  	v3 =	vmul.f32 v4, v3;
	v40 =	vmul.f32 v39, v38;
	_ =	sdelay $0x1  }
0xda: {  	v3 =	vadd.f32 v40, v3;
	_ =	sdelay $0x1  }
0xdb: {  	(xrf2) =	vadd.scan.msk.f32 $0xffff, v3  }
0xdc: {  	s21 =	sadd.s32 $0xFFFFFFF9, s29  }
0xdd: {  	v3 =	vmov s21  }
0xde: {  	v3 =	vshrl.u32 v3, $0x3  }
0xdf: {  	v3 =	vshll.u32 v3, v0  }
0xe0: {  	s1 =	spop (v2sf);
	v3 =	vbroadcast v3, $0x0  }
0xe1: {  	s0 =	sand.u32 $0x7, s1  }
0xe2: {  	s17 =	spop (v2sf);
	s0 =	sshll.u32 s0, $0x2;
	s21 =	sshll.u32 s1, $0x2  }
0xe3: {  	s1 =	sand.u32 $0xFFFFFFE0, s21;
	s21 =	sand.u32 $0x7, s17;
	s17 =	sshll.u32 s17, $0x2  }
0xe4: {  	s0 =	sor.u32 s0, s1;
	s17 =	sand.u32 $0xFFFFFFE0, s17;
	s21 =	sshll.u32 s21, $0x2  }
0xe5: {  	s0 =	sshra.s32 s0, $0x2;
	s1 =	sor.u32 s21, s17;
	v41, _, _ =	vpop (xrf2)  }
0xe6: {  	s0 =	sadd.s32 s31, s0;
	s1 =	sshra.s32 s1, $0x2;
	[tilespmem:v3+s20+$0x0] =	vst.idx.msk vm0, v41  }
0xe7: {  	s1 =	sadd.s32 s31, s1;
	v3 =	vld [tilespmem:s0+$0xC80]  }
0xe8: {  	v4 =	vld [tilespmem:s1+$0x8C80]  }
0xe9: {  	(v2sf) =	vpush v2, $0xA;
	v42 =	vld [tilespmem:s0+$0xC90]  }
0xea: {  	v43 =	vld [tilespmem:s1+$0x8C90]  }
0xeb: {  	(v2sf) =	vpush v1, $0xA;
	_ =	sdelay $0x3  }
0xec: {  	v3 =	vmul.f32 v4, v3;
	v44 =	vmul.f32 v43, v42;
	_ =	sdelay $0x1  }
0xed: {  	v3 =	vadd.f32 v44, v3;
	_ =	sdelay $0x1  }
0xee: {  	s21 =	sadd.s32 $0xFFFFFFFA, s29;
	(xrf2) =	vadd.scan.msk.f32 $0xffff, v3  }
0xef: {  	v3 =	vmov s21  }
0xf0: {  	v3 =	vshrl.u32 v3, $0x3  }
0xf1: {  	v3 =	vshll.u32 v3, v0  }
0xf2: {  	v3 =	vadd.s32 $0x1, v3  }
0xf3: {  	s1 =	spop (v2sf);
	v3 =	vbroadcast v3, $0x0  }
0xf4: {  	s0 =	sand.u32 $0x7, s1  }
0xf5: {  	s17 =	spop (v2sf);
	s0 =	sshll.u32 s0, $0x2;
	s21 =	sshll.u32 s1, $0x2  }
0xf6: {  	s1 =	sand.u32 $0xFFFFFFE0, s21;
	s21 =	sand.u32 $0x7, s17;
	s17 =	sshll.u32 s17, $0x2  }
0xf7: {  	s0 =	sor.u32 s0, s1;
	s17 =	sand.u32 $0xFFFFFFE0, s17;
	s21 =	sshll.u32 s21, $0x2  }
0xf8: {  	s0 =	sshra.s32 s0, $0x2;
	s1 =	sor.u32 s21, s17;
	v45, _, _ =	vpop (xrf2)  }
0xf9: {  	s0 =	sadd.s32 s31, s0;
	s1 =	sshra.s32 s1, $0x2;
	[tilespmem:v3+s20+$0x0] =	vst.idx.msk vm0, v45  }
0xfa: {  	s1 =	sadd.s32 s31, s1;
	v3 =	vld [tilespmem:s0+$0xD00]  }
0xfb: {  	v4 =	vld [tilespmem:s1+$0x8D00]  }
0xfc: {  	(v2sf) =	vpush v2, $0xB;
	v46 =	vld [tilespmem:s0+$0xD10]  }
0xfd: {  	v47 =	vld [tilespmem:s1+$0x8D10]  }
0xfe: {  	(v2sf) =	vpush v1, $0xB;
	_ =	sdelay $0x3  }
0xff: {  	v3 =	vmul.f32 v4, v3;
	v48 =	vmul.f32 v47, v46;
	_ =	sdelay $0x1  }
0x100: {  	v3 =	vadd.f32 v48, v3;
	_ =	sdelay $0x1  }
0x101: {  	s21 =	sadd.s32 $0xFFFFFFFB, s29;
	(xrf2) =	vadd.scan.msk.f32 $0xffff, v3  }
0x102: {  	v3 =	vmov s21  }
0x103: {  	v3 =	vshrl.u32 v3, $0x3  }
0x104: {  	v3 =	vshll.u32 v3, v0  }
0x105: {  	v3 =	vadd.s32 $0x2, v3  }
0x106: {  	s1 =	spop (v2sf);
	v3 =	vbroadcast v3, $0x0  }
0x107: {  	s0 =	sand.u32 $0x7, s1  }
0x108: {  	s17 =	spop (v2sf);
	s0 =	sshll.u32 s0, $0x2;
	s21 =	sshll.u32 s1, $0x2  }
0x109: {  	s1 =	sand.u32 $0xFFFFFFE0, s21;
	s21 =	sand.u32 $0x7, s17;
	s17 =	sshll.u32 s17, $0x2  }
0x10a: {  	s0 =	sor.u32 s0, s1;
	s17 =	sand.u32 $0xFFFFFFE0, s17;
	s21 =	sshll.u32 s21, $0x2  }
0x10b: {  	s0 =	sshra.s32 s0, $0x2;
	s1 =	sor.u32 s21, s17;
	v49, _, _ =	vpop (xrf2)  }
0x10c: {  	s0 =	sadd.s32 s31, s0;
	s1 =	sshra.s32 s1, $0x2;
	[tilespmem:v3+s20+$0x0] =	vst.idx.msk vm0, v49  }
0x10d: {  	s1 =	sadd.s32 s31, s1;
	v3 =	vld [tilespmem:s0+$0xD80]  }
0x10e: {  	v4 =	vld [tilespmem:s1+$0x8D80]  }
0x10f: {  	(v2sf) =	vpush v2, $0xC;
	v50 =	vld [tilespmem:s0+$0xD90]  }
0x110: {  	v51 =	vld [tilespmem:s1+$0x8D90]  }
0x111: {  	(v2sf) =	vpush v1, $0xC;
	_ =	sdelay $0x3  }
0x112: {  	v3 =	vmul.f32 v4, v3;
	v52 =	vmul.f32 v51, v50;
	_ =	sdelay $0x1  }
0x113: {  	v3 =	vadd.f32 v52, v3;
	_ =	sdelay $0x1  }
0x114: {  	s21 =	sadd.s32 $0xFFFFFFFC, s29;
	(xrf2) =	vadd.scan.msk.f32 $0xffff, v3  }
0x115: {  	v3 =	vmov s21  }
0x116: {  	v3 =	vshrl.u32 v3, $0x3  }
0x117: {  	v3 =	vshll.u32 v3, v0  }
0x118: {  	v3 =	vadd.s32 $0x3, v3  }
0x119: {  	s1 =	spop (v2sf);
	v3 =	vbroadcast v3, $0x0  }
0x11a: {  	s0 =	sand.u32 $0x7, s1  }
0x11b: {  	s17 =	spop (v2sf);
	s0 =	sshll.u32 s0, $0x2;
	s21 =	sshll.u32 s1, $0x2  }
0x11c: {  	s1 =	sand.u32 $0xFFFFFFE0, s21;
	s21 =	sand.u32 $0x7, s17;
	s17 =	sshll.u32 s17, $0x2  }
0x11d: {  	s0 =	sor.u32 s0, s1;
	s17 =	sand.u32 $0xFFFFFFE0, s17;
	s21 =	sshll.u32 s21, $0x2  }
0x11e: {  	s0 =	sshra.s32 s0, $0x2;
	s1 =	sor.u32 s21, s17;
	v53, _, _ =	vpop (xrf2)  }
0x11f: {  	s0 =	sadd.s32 s31, s0;
	s1 =	sshra.s32 s1, $0x2;
	[tilespmem:v3+s20+$0x0] =	vst.idx.msk vm0, v53  }
0x120: {  	s1 =	sadd.s32 s31, s1;
	v3 =	vld [tilespmem:s0+$0xE00]  }
0x121: {  	v4 =	vld [tilespmem:s1+$0x8E00]  }
0x122: {  	(v2sf) =	vpush v2, $0xD;
	v54 =	vld [tilespmem:s0+$0xE10]  }
0x123: {  	v55 =	vld [tilespmem:s1+$0x8E10]  }
0x124: {  	(v2sf) =	vpush v1, $0xD;
	_ =	sdelay $0x3  }
0x125: {  	v3 =	vmul.f32 v4, v3;
	v56 =	vmul.f32 v55, v54;
	_ =	sdelay $0x1  }
0x126: {  	v3 =	vadd.f32 v56, v3;
	_ =	sdelay $0x1  }
0x127: {  	s21 =	sadd.s32 $0xFFFFFFFD, s29;
	(xrf2) =	vadd.scan.msk.f32 $0xffff, v3  }
0x128: {  	v3 =	vmov s21  }
0x129: {  	v3 =	vshrl.u32 v3, $0x3  }
0x12a: {  	v3 =	vshll.u32 v3, v0  }
0x12b: {  	v3 =	vadd.s32 $0x4, v3  }
0x12c: {  	s1 =	spop (v2sf);
	v3 =	vbroadcast v3, $0x0  }
0x12d: {  	s0 =	sand.u32 $0x7, s1  }
0x12e: {  	s17 =	spop (v2sf);
	s0 =	sshll.u32 s0, $0x2;
	s21 =	sshll.u32 s1, $0x2  }
0x12f: {  	s1 =	sand.u32 $0xFFFFFFE0, s21;
	s21 =	sand.u32 $0x7, s17;
	s17 =	sshll.u32 s17, $0x2  }
0x130: {  	s0 =	sor.u32 s0, s1;
	s17 =	sand.u32 $0xFFFFFFE0, s17;
	s21 =	sshll.u32 s21, $0x2  }
0x131: {  	s0 =	sshra.s32 s0, $0x2;
	s1 =	sor.u32 s21, s17;
	v57, _, _ =	vpop (xrf2)  }
0x132: {  	s0 =	sadd.s32 s31, s0;
	s1 =	sshra.s32 s1, $0x2;
	[tilespmem:v3+s20+$0x0] =	vst.idx.msk vm0, v57  }
0x133: {  	s1 =	sadd.s32 s31, s1;
	v3 =	vld [tilespmem:s0+$0xE80]  }
0x134: {  	v4 =	vld [tilespmem:s1+$0x8E80]  }
0x135: {  	(v2sf) =	vpush v2, $0xE;
	v58 =	vld [tilespmem:s0+$0xE90]  }
0x136: {  	v59 =	vld [tilespmem:s1+$0x8E90]  }
0x137: {  	(v2sf) =	vpush v1, $0xE;
	_ =	sdelay $0x3  }
0x138: {  	v3 =	vmul.f32 v4, v3;
	v60 =	vmul.f32 v59, v58;
	_ =	sdelay $0x1  }
0x139: {  	v3 =	vadd.f32 v60, v3;
	_ =	sdelay $0x1  }
0x13a: {  	s21 =	sadd.s32 $0xFFFFFFFE, s29;
	(xrf2) =	vadd.scan.msk.f32 $0xffff, v3  }
0x13b: {  	v3 =	vmov s21  }
0x13c: {  	v3 =	vshrl.u32 v3, $0x3  }
0x13d: {  	v3 =	vshll.u32 v3, v0  }
0x13e: {  	v3 =	vadd.s32 $0x5, v3  }
0x13f: {  	s1 =	spop (v2sf);
	v3 =	vbroadcast v3, $0x0  }
0x140: {  	s0 =	sand.u32 $0x7, s1  }
0x141: {  	s17 =	spop (v2sf);
	s0 =	sshll.u32 s0, $0x2;
	s21 =	sshll.u32 s1, $0x2  }
0x142: {  	s1 =	sand.u32 $0xFFFFFFE0, s21;
	s21 =	sand.u32 $0x7, s17;
	s17 =	sshll.u32 s17, $0x2  }
0x143: {  	s0 =	sor.u32 s0, s1;
	s17 =	sand.u32 $0xFFFFFFE0, s17;
	s21 =	sshll.u32 s21, $0x2  }
0x144: {  	s0 =	sshra.s32 s0, $0x2;
	s1 =	sor.u32 s21, s17;
	v61, _, _ =	vpop (xrf2)  }
0x145: {  	s0 =	sadd.s32 s31, s0;
	s1 =	sshra.s32 s1, $0x2;
	[tilespmem:v3+s20+$0x0] =	vst.idx.msk vm0, v61  }
0x146: {  	s1 =	sadd.s32 s31, s1;
	v3 =	vld [tilespmem:s0+$0xF00]  }
0x147: {  	v4 =	vld [tilespmem:s1+$0x8F00]  }
0x148: {  	(v2sf) =	vpush v2, $0xF;
	v62 =	vld [tilespmem:s0+$0xF10]  }
0x149: {  	v2 =	vld [tilespmem:s1+$0x8F10]  }
0x14a: {  	(v2sf) =	vpush v1, $0xF;
	_ =	sdelay $0x3  }
0x14b: {  	v1 =	vmul.f32 v4, v3;
	v2 =	vmul.f32 v2, v62;
	_ =	sdelay $0x1  }
0x14c: {  	v1 =	vadd.f32 v2, v1;
	_ =	sdelay $0x1  }
0x14d: {  	s21 =	sadd.s32 $0xFFFFFFFF, s29;
	(xrf2) =	vadd.scan.msk.f32 $0xffff, v1  }
0x14e: {  	v1 =	vmov s21  }
0x14f: {  	v1 =	vshrl.u32 v1, $0x3  }
0x150: {  	v1 =	vshll.u32 v1, v0  }
0x151: {  	v1 =	vadd.s32 $0x6, v1  }
0x152: {  	s1 =	spop (v2sf);
	v1 =	vbroadcast v1, $0x0  }
0x153: {  	s0 =	sand.u32 $0x7, s1  }
0x154: {  	s17 =	spop (v2sf);
	s0 =	sshll.u32 s0, $0x2;
	s21 =	sshll.u32 s1, $0x2  }
0x155: {  	s1 =	sand.u32 $0xFFFFFFE0, s21;
	s21 =	sand.u32 $0x7, s17;
	s17 =	sshll.u32 s17, $0x2  }
0x156: {  	s0 =	sor.u32 s0, s1;
	s17 =	sand.u32 $0xFFFFFFE0, s17;
	s21 =	sshll.u32 s21, $0x2  }
0x157: {  	s0 =	sshra.s32 s0, $0x2;
	s1 =	sor.u32 s21, s17;
	v2, _, _ =	vpop (xrf2)  }
0x158: {  	s0 =	sadd.s32 s31, s0;
	s1 =	sshra.s32 s1, $0x2;
	[tilespmem:v1+s20+$0x0] =	vst.idx.msk vm0, v2  }
0x159: {  	s1 =	sadd.s32 s31, s1;
	v1 =	vld [tilespmem:s0+$0xF80]  }
0x15a: {  	v2 =	vld [tilespmem:s1+$0x8F80]  }
0x15b: {  	v3 =	vld [tilespmem:s0+$0xF90]  }
0x15c: {  	v63 =	vld [tilespmem:s1+$0x8F90];
	_ =	sdelay $0x4  }
0x15d: {  	v1 =	vmul.f32 v2, v1;
	v2 =	vmul.f32 v63, v3;
	_ =	sdelay $0x1  }
0x15e: {  	v1 =	vadd.f32 v2, v1;
	_ =	sdelay $0x1  }
0x15f: {  	(xrf2) =	vadd.scan.msk.f32 $0xffff, v1  }
0x160: {  	v1 =	vmov s29  }
0x161: {  	v1 =	vshrl.u32 v1, $0x3  }
0x162: {  	v1 =	vshll.u32 v1, v0  }
0x163: {  	v1 =	vadd.s32 $0x7, v1  }
0x164: {  	v1 =	vbroadcast v1, $0x0  }
0x165: {  	p0 =	sne.s32 s30, $0x1E000  }
.Ltmp0:
0x166: {  	_ = 	snop;
	(pc) =	sbr.rel @p0 .LBB2_2-.Ltmp0, $3  }
0x167: {  	_ =	sdelay $0x1  }
0x168: {  	s26 =	sadd.s32 $0x10, s26;
	v2, _, _ =	vpop (xrf2)  }
0x169: {  	s28 =	sadd.s32 $0x10, s28;
	s30 =	sadd.s32 $0x2000, s30;
	s29 =	sadd.s32 $0x10, s29;
	[tilespmem:v1+s20+$0x0] =	vst.idx.msk vm0, v2  }
0x16a: {  	s0 =	simm.s32 $0x100  }
0x16b: {  	[tilespmem:s14], [sflag:$0x1] =	stream.indirect.gather [hbm4b:s3+s13], $0x80, s0, s13, $0xb8;
	[tilespmem:$0x10A00] =	vst v63  }
0x16c: {  	_ = 	snop  }
0x16d: {  	[tilespmem:s15], [sflag:$0x1] =	stream.indirect.gather [hbm4b:s4+s13], $0x80, s22, s13, $0xb8;
	[tilespmem:$0x10A00] =	vst v63  }
0x16e: {  	_ = 	snop  }
0x16f: {  	[tilespmem:s16], [sflag:$0x1] =	stream.indirect.gather [hbm4b:s3+s13], $0x80, s23, s13, $0xb8;
	[tilespmem:$0x10A00] =	vst v63  }
0x170: {  	_ = 	snop  }
0x171: {  	[tilespmem:s18], [sflag:$0x1] =	stream.indirect.gather [hbm4b:s4+s13], $0x80, s24, s13, $0xb8;
	[tilespmem:$0x10A00] =	vst v63  }
0x172: {  	_ =	swait.ge [sflag:s19], $0x4000  }
0x173: {  	[sflag:s19] =	ssyncset.done $0x0  }
0x174: {  	[sflag:s19] =	ssyncadd.s32 $0xFFFFC000  }
0x175: {  	_ =	swait.ge [sflag:s19], $0x4000  }
0x176: {  	[sflag:s19] =	ssyncset.done $0x0  }
0x177: {  	[sflag:s19] =	ssyncadd.s32 $0xFFFFC000  }
0x178: {  	_ =	swait.ge [sflag:s19], $0x4000  }
0x179: {  	[sflag:s19] =	ssyncset.done $0x0  }
0x17a: {  	[sflag:s19] =	ssyncadd.s32 $0xFFFFC000  }
0x17b: {  	_ =	swait.ge [sflag:s19], $0x4000  }
0x17c: {  	s26 =	simm.s32 $0x0;
	s28 =	simm.s32 $0x10F;
	[sflag:s19] =	ssyncset.done $0x0  }
0x17d: {  	s29 =	simm.s32 $0x700;
	s30 =	simm.s32 $0x500;
	[sflag:s19] =	ssyncadd.s32 $0xFFFFC000  }
.LBB2_4:
0x17e: {  	v2 =	vld [tilespmem:s30+$0x0];
	_ =	sdelay $0x1  }
0x17f: {  	v1 =	vld [tilespmem:s29+$0x0];
	_ =	sdelay $0x2  }
0x180: {  	(v2sf) =	vpush v2, $0x0;
	_ =	sdelay $0x1  }
0x181: {  	(v2sf) =	vpush v1, $0x0;
	_ =	sdelay $0xc  }
0x182: {  	s0 =	spop (v2sf)  }
0x183: {  	s31 =	sshra.s32 s26, $0x2;
	s1 =	sshll.u32 s0, $0x2;
	s0 =	sand.u32 $0x7, s0  }
0x184: {  	s17 =	spop (v2sf);
	s1 =	sand.u32 $0xFFFFFFE0, s1;
	s0 =	sshll.u32 s0, $0x2  }
0x185: {  	s21 =	sand.u32 $0x7, s17;
	s17 =	sshll.u32 s17, $0x2;
	s0 =	sor.u32 s0, s1  }
0x186: {  	s17 =	sand.u32 $0xFFFFFFE0, s17;
	s21 =	sshll.u32 s21, $0x2;
	s0 =	sshra.s32 s0, $0x2  }
0x187: {  	s1 =	sor.u32 s21, s17;
	s0 =	sadd.s32 s31, s0  }
0x188: {  	s1 =	sshra.s32 s1, $0x2;
	v3 =	vld [tilespmem:s0+$0x800]  }
0x189: {  	s1 =	sadd.s32 s31, s1;
	v5 =	vld [tilespmem:s0+$0x810]  }
0x18a: {  	(v2sf) =	vpush v2, $0x1;
	v4 =	vld [tilespmem:s1+$0x8800]  }
0x18b: {  	v6 =	vld [tilespmem:s1+$0x8810]  }
0x18c: {  	(v2sf) =	vpush v1, $0x1;
	_ =	sdelay $0x3  }
0x18d: {  	v3 =	vmul.f32 v4, v3;
	v8 =	vmul.f32 v6, v5;
	_ =	sdelay $0x1  }
0x18e: {  	v3 =	vadd.f32 v8, v3;
	_ =	sdelay $0x1  }
0x18f: {  	(xrf2) =	vadd.scan.msk.f32 $0xffff, v3  }
0x190: {  	s21 =	sadd.s32 $0xFFFFFFF1, s28  }
0x191: {  	v3 =	vmov s21  }
0x192: {  	v3 =	vshrl.u32 v3, $0x3  }
0x193: {  	v3 =	vshll.u32 v3, v0  }
0x194: {  	s1 =	spop (v2sf);
	v3 =	vbroadcast v3, $0x0  }
0x195: {  	s21 =	sshll.u32 s1, $0x2  }
0x196: {  	s17 =	spop (v2sf);
	s0 =	sand.u32 $0x7, s1;
	s1 =	sand.u32 $0xFFFFFFE0, s21  }
0x197: {  	s0 =	sshll.u32 s0, $0x2;
	s21 =	sand.u32 $0x7, s17;
	s17 =	sshll.u32 s17, $0x2  }
0x198: {  	s0 =	sor.u32 s0, s1;
	s17 =	sand.u32 $0xFFFFFFE0, s17;
	s21 =	sshll.u32 s21, $0x2  }
0x199: {  	s0 =	sshra.s32 s0, $0x2;
	s1 =	sor.u32 s21, s17;
	v9, _, _ =	vpop (xrf2)  }
0x19a: {  	s0 =	sadd.s32 s31, s0;
	s1 =	sshra.s32 s1, $0x2;
	[tilespmem:v3+s20+$0x0] =	vst.idx.msk vm0, v9  }
0x19b: {  	s1 =	sadd.s32 s31, s1;
	v3 =	vld [tilespmem:s0+$0x880]  }
0x19c: {  	v4 =	vld [tilespmem:s1+$0x8880]  }
0x19d: {  	(v2sf) =	vpush v2, $0x2;
	v10 =	vld [tilespmem:s0+$0x890]  }
0x19e: {  	v11 =	vld [tilespmem:s1+$0x8890]  }
0x19f: {  	(v2sf) =	vpush v1, $0x2;
	_ =	sdelay $0x3  }
0x1a0: {  	v3 =	vmul.f32 v4, v3;
	v12 =	vmul.f32 v11, v10;
	_ =	sdelay $0x1  }
0x1a1: {  	v3 =	vadd.f32 v12, v3;
	_ =	sdelay $0x1  }
0x1a2: {  	s21 =	sadd.s32 $0xFFFFFFF2, s28;
	(xrf2) =	vadd.scan.msk.f32 $0xffff, v3  }
0x1a3: {  	v3 =	vmov s21  }
0x1a4: {  	v3 =	vshrl.u32 v3, $0x3  }
0x1a5: {  	v3 =	vshll.u32 v3, v0  }
0x1a6: {  	v3 =	vadd.s32 $0x1, v3  }
0x1a7: {  	s1 =	spop (v2sf);
	v3 =	vbroadcast v3, $0x0  }
0x1a8: {  	s0 =	sand.u32 $0x7, s1  }
0x1a9: {  	s17 =	spop (v2sf);
	s0 =	sshll.u32 s0, $0x2;
	s21 =	sshll.u32 s1, $0x2  }
0x1aa: {  	s1 =	sand.u32 $0xFFFFFFE0, s21;
	s21 =	sand.u32 $0x7, s17;
	s17 =	sshll.u32 s17, $0x2  }
0x1ab: {  	s0 =	sor.u32 s0, s1;
	s17 =	sand.u32 $0xFFFFFFE0, s17;
	s21 =	sshll.u32 s21, $0x2  }
0x1ac: {  	s0 =	sshra.s32 s0, $0x2;
	s1 =	sor.u32 s21, s17;
	v13, _, _ =	vpop (xrf2)  }
0x1ad: {  	s0 =	sadd.s32 s31, s0;
	s1 =	sshra.s32 s1, $0x2;
	[tilespmem:v3+s20+$0x0] =	vst.idx.msk vm0, v13  }
0x1ae: {  	s1 =	sadd.s32 s31, s1;
	v3 =	vld [tilespmem:s0+$0x900]  }
0x1af: {  	v4 =	vld [tilespmem:s1+$0x8900]  }
0x1b0: {  	(v2sf) =	vpush v2, $0x3;
	v14 =	vld [tilespmem:s0+$0x910]  }
0x1b1: {  	v15 =	vld [tilespmem:s1+$0x8910]  }
0x1b2: {  	(v2sf) =	vpush v1, $0x3;
	_ =	sdelay $0x3  }
0x1b3: {  	v3 =	vmul.f32 v4, v3;
	v16 =	vmul.f32 v15, v14;
	_ =	sdelay $0x1  }
0x1b4: {  	v3 =	vadd.f32 v16, v3;
	_ =	sdelay $0x1  }
0x1b5: {  	s21 =	sadd.s32 $0xFFFFFFF3, s28;
	(xrf2) =	vadd.scan.msk.f32 $0xffff, v3  }
0x1b6: {  	v3 =	vmov s21  }
0x1b7: {  	v3 =	vshrl.u32 v3, $0x3  }
0x1b8: {  	v3 =	vshll.u32 v3, v0  }
0x1b9: {  	v3 =	vadd.s32 $0x2, v3  }
0x1ba: {  	s1 =	spop (v2sf);
	v3 =	vbroadcast v3, $0x0  }
0x1bb: {  	s0 =	sand.u32 $0x7, s1  }
0x1bc: {  	s17 =	spop (v2sf);
	s0 =	sshll.u32 s0, $0x2;
	s21 =	sshll.u32 s1, $0x2  }
0x1bd: {  	s1 =	sand.u32 $0xFFFFFFE0, s21;
	s21 =	sand.u32 $0x7, s17;
	s17 =	sshll.u32 s17, $0x2  }
0x1be: {  	s0 =	sor.u32 s0, s1;
	s17 =	sand.u32 $0xFFFFFFE0, s17;
	s21 =	sshll.u32 s21, $0x2  }
0x1bf: {  	s0 =	sshra.s32 s0, $0x2;
	s1 =	sor.u32 s21, s17;
	v17, _, _ =	vpop (xrf2)  }
0x1c0: {  	s0 =	sadd.s32 s31, s0;
	s1 =	sshra.s32 s1, $0x2;
	[tilespmem:v3+s20+$0x0] =	vst.idx.msk vm0, v17  }
0x1c1: {  	s1 =	sadd.s32 s31, s1;
	v3 =	vld [tilespmem:s0+$0x980]  }
0x1c2: {  	v4 =	vld [tilespmem:s1+$0x8980]  }
0x1c3: {  	(v2sf) =	vpush v2, $0x4;
	v18 =	vld [tilespmem:s0+$0x990]  }
0x1c4: {  	v19 =	vld [tilespmem:s1+$0x8990]  }
0x1c5: {  	(v2sf) =	vpush v1, $0x4;
	_ =	sdelay $0x3  }
0x1c6: {  	v3 =	vmul.f32 v4, v3;
	v20 =	vmul.f32 v19, v18;
	_ =	sdelay $0x1  }
0x1c7: {  	v3 =	vadd.f32 v20, v3;
	_ =	sdelay $0x1  }
0x1c8: {  	s21 =	sadd.s32 $0xFFFFFFF4, s28;
	(xrf2) =	vadd.scan.msk.f32 $0xffff, v3  }
0x1c9: {  	v3 =	vmov s21  }
0x1ca: {  	v3 =	vshrl.u32 v3, $0x3  }
0x1cb: {  	v3 =	vshll.u32 v3, v0  }
0x1cc: {  	v3 =	vadd.s32 $0x3, v3  }
0x1cd: {  	s1 =	spop (v2sf);
	v3 =	vbroadcast v3, $0x0  }
0x1ce: {  	s0 =	sand.u32 $0x7, s1  }
0x1cf: {  	s17 =	spop (v2sf);
	s0 =	sshll.u32 s0, $0x2;
	s21 =	sshll.u32 s1, $0x2  }
0x1d0: {  	s1 =	sand.u32 $0xFFFFFFE0, s21;
	s21 =	sand.u32 $0x7, s17;
	s17 =	sshll.u32 s17, $0x2  }
0x1d1: {  	s0 =	sor.u32 s0, s1;
	s17 =	sand.u32 $0xFFFFFFE0, s17;
	s21 =	sshll.u32 s21, $0x2  }
0x1d2: {  	s0 =	sshra.s32 s0, $0x2;
	s1 =	sor.u32 s21, s17;
	v21, _, _ =	vpop (xrf2)  }
0x1d3: {  	s0 =	sadd.s32 s31, s0;
	s1 =	sshra.s32 s1, $0x2;
	[tilespmem:v3+s20+$0x0] =	vst.idx.msk vm0, v21  }
0x1d4: {  	s1 =	sadd.s32 s31, s1;
	v3 =	vld [tilespmem:s0+$0xA00]  }
0x1d5: {  	v4 =	vld [tilespmem:s1+$0x8A00]  }
0x1d6: {  	(v2sf) =	vpush v2, $0x5;
	v22 =	vld [tilespmem:s0+$0xA10]  }
0x1d7: {  	v23 =	vld [tilespmem:s1+$0x8A10]  }
0x1d8: {  	(v2sf) =	vpush v1, $0x5;
	_ =	sdelay $0x3  }
0x1d9: {  	v3 =	vmul.f32 v4, v3;
	v24 =	vmul.f32 v23, v22;
	_ =	sdelay $0x1  }
0x1da: {  	v3 =	vadd.f32 v24, v3;
	_ =	sdelay $0x1  }
0x1db: {  	s21 =	sadd.s32 $0xFFFFFFF5, s28;
	(xrf2) =	vadd.scan.msk.f32 $0xffff, v3  }
0x1dc: {  	v3 =	vmov s21  }
0x1dd: {  	v3 =	vshrl.u32 v3, $0x3  }
0x1de: {  	v3 =	vshll.u32 v3, v0  }
0x1df: {  	v3 =	vadd.s32 $0x4, v3  }
0x1e0: {  	s1 =	spop (v2sf);
	v3 =	vbroadcast v3, $0x0  }
0x1e1: {  	s0 =	sand.u32 $0x7, s1  }
0x1e2: {  	s17 =	spop (v2sf);
	s0 =	sshll.u32 s0, $0x2;
	s21 =	sshll.u32 s1, $0x2  }
0x1e3: {  	s1 =	sand.u32 $0xFFFFFFE0, s21;
	s21 =	sand.u32 $0x7, s17;
	s17 =	sshll.u32 s17, $0x2  }
0x1e4: {  	s0 =	sor.u32 s0, s1;
	s17 =	sand.u32 $0xFFFFFFE0, s17;
	s21 =	sshll.u32 s21, $0x2  }
0x1e5: {  	s0 =	sshra.s32 s0, $0x2;
	s1 =	sor.u32 s21, s17;
	v25, _, _ =	vpop (xrf2)  }
0x1e6: {  	s0 =	sadd.s32 s31, s0;
	s1 =	sshra.s32 s1, $0x2;
	[tilespmem:v3+s20+$0x0] =	vst.idx.msk vm0, v25  }
0x1e7: {  	s1 =	sadd.s32 s31, s1;
	v3 =	vld [tilespmem:s0+$0xA80]  }
0x1e8: {  	v4 =	vld [tilespmem:s1+$0x8A80]  }
0x1e9: {  	(v2sf) =	vpush v2, $0x6;
	v26 =	vld [tilespmem:s0+$0xA90]  }
0x1ea: {  	v27 =	vld [tilespmem:s1+$0x8A90]  }
0x1eb: {  	(v2sf) =	vpush v1, $0x6;
	_ =	sdelay $0x3  }
0x1ec: {  	v3 =	vmul.f32 v4, v3;
	v28 =	vmul.f32 v27, v26;
	_ =	sdelay $0x1  }
0x1ed: {  	v3 =	vadd.f32 v28, v3;
	_ =	sdelay $0x1  }
0x1ee: {  	s21 =	sadd.s32 $0xFFFFFFF6, s28;
	(xrf2) =	vadd.scan.msk.f32 $0xffff, v3  }
0x1ef: {  	v3 =	vmov s21  }
0x1f0: {  	v3 =	vshrl.u32 v3, $0x3  }
0x1f1: {  	v3 =	vshll.u32 v3, v0  }
0x1f2: {  	v3 =	vadd.s32 $0x5, v3  }
0x1f3: {  	s1 =	spop (v2sf);
	v3 =	vbroadcast v3, $0x0  }
0x1f4: {  	s0 =	sand.u32 $0x7, s1  }
0x1f5: {  	s17 =	spop (v2sf);
	s0 =	sshll.u32 s0, $0x2;
	s21 =	sshll.u32 s1, $0x2  }
0x1f6: {  	s1 =	sand.u32 $0xFFFFFFE0, s21;
	s21 =	sand.u32 $0x7, s17;
	s17 =	sshll.u32 s17, $0x2  }
0x1f7: {  	s0 =	sor.u32 s0, s1;
	s17 =	sand.u32 $0xFFFFFFE0, s17;
	s21 =	sshll.u32 s21, $0x2  }
0x1f8: {  	s0 =	sshra.s32 s0, $0x2;
	s1 =	sor.u32 s21, s17;
	v29, _, _ =	vpop (xrf2)  }
0x1f9: {  	s0 =	sadd.s32 s31, s0;
	s1 =	sshra.s32 s1, $0x2;
	[tilespmem:v3+s20+$0x0] =	vst.idx.msk vm0, v29  }
0x1fa: {  	s1 =	sadd.s32 s31, s1;
	v3 =	vld [tilespmem:s0+$0xB00]  }
0x1fb: {  	v4 =	vld [tilespmem:s1+$0x8B00]  }
0x1fc: {  	(v2sf) =	vpush v2, $0x7;
	v30 =	vld [tilespmem:s0+$0xB10]  }
0x1fd: {  	v31 =	vld [tilespmem:s1+$0x8B10]  }
0x1fe: {  	(v2sf) =	vpush v1, $0x7;
	_ =	sdelay $0x3  }
0x1ff: {  	v3 =	vmul.f32 v4, v3;
	v32 =	vmul.f32 v31, v30;
	_ =	sdelay $0x1  }
0x200: {  	v3 =	vadd.f32 v32, v3;
	_ =	sdelay $0x1  }
0x201: {  	s21 =	sadd.s32 $0xFFFFFFF7, s28;
	(xrf2) =	vadd.scan.msk.f32 $0xffff, v3  }
0x202: {  	v3 =	vmov s21  }
0x203: {  	v3 =	vshrl.u32 v3, $0x3  }
0x204: {  	v3 =	vshll.u32 v3, v0  }
0x205: {  	v3 =	vadd.s32 $0x6, v3  }
0x206: {  	s1 =	spop (v2sf);
	v3 =	vbroadcast v3, $0x0  }
0x207: {  	s0 =	sand.u32 $0x7, s1  }
0x208: {  	s17 =	spop (v2sf);
	s0 =	sshll.u32 s0, $0x2;
	s21 =	sshll.u32 s1, $0x2  }
0x209: {  	s1 =	sand.u32 $0xFFFFFFE0, s21;
	s21 =	sand.u32 $0x7, s17;
	s17 =	sshll.u32 s17, $0x2  }
0x20a: {  	s0 =	sor.u32 s0, s1;
	s17 =	sand.u32 $0xFFFFFFE0, s17;
	s21 =	sshll.u32 s21, $0x2  }
0x20b: {  	s0 =	sshra.s32 s0, $0x2;
	s1 =	sor.u32 s21, s17;
	v33, _, _ =	vpop (xrf2)  }
0x20c: {  	s0 =	sadd.s32 s31, s0;
	s1 =	sshra.s32 s1, $0x2;
	[tilespmem:v3+s20+$0x0] =	vst.idx.msk vm0, v33  }
0x20d: {  	s1 =	sadd.s32 s31, s1;
	v3 =	vld [tilespmem:s0+$0xB80]  }
0x20e: {  	v4 =	vld [tilespmem:s1+$0x8B80]  }
0x20f: {  	(v2sf) =	vpush v2, $0x8;
	v34 =	vld [tilespmem:s0+$0xB90]  }
0x210: {  	v35 =	vld [tilespmem:s1+$0x8B90]  }
0x211: {  	(v2sf) =	vpush v1, $0x8;
	_ =	sdelay $0x3  }
0x212: {  	v3 =	vmul.f32 v4, v3;
	v36 =	vmul.f32 v35, v34;
	_ =	sdelay $0x1  }
0x213: {  	v3 =	vadd.f32 v36, v3;
	_ =	sdelay $0x1  }
0x214: {  	s21 =	sadd.s32 $0xFFFFFFF8, s28;
	(xrf2) =	vadd.scan.msk.f32 $0xffff, v3  }
0x215: {  	v3 =	vmov s21  }
0x216: {  	v3 =	vshrl.u32 v3, $0x3  }
0x217: {  	v3 =	vshll.u32 v3, v0  }
0x218: {  	v3 =	vadd.s32 $0x7, v3  }
0x219: {  	s1 =	spop (v2sf);
	v3 =	vbroadcast v3, $0x0  }
0x21a: {  	s0 =	sand.u32 $0x7, s1  }
0x21b: {  	s17 =	spop (v2sf);
	s0 =	sshll.u32 s0, $0x2;
	s21 =	sshll.u32 s1, $0x2  }
0x21c: {  	s1 =	sand.u32 $0xFFFFFFE0, s21;
	s21 =	sand.u32 $0x7, s17;
	s17 =	sshll.u32 s17, $0x2  }
0x21d: {  	s0 =	sor.u32 s0, s1;
	s17 =	sand.u32 $0xFFFFFFE0, s17;
	s21 =	sshll.u32 s21, $0x2  }
0x21e: {  	s0 =	sshra.s32 s0, $0x2;
	s1 =	sor.u32 s21, s17;
	v37, _, _ =	vpop (xrf2)  }
0x21f: {  	s0 =	sadd.s32 s31, s0;
	s1 =	sshra.s32 s1, $0x2;
	[tilespmem:v3+s20+$0x0] =	vst.idx.msk vm0, v37  }
0x220: {  	s1 =	sadd.s32 s31, s1;
	v3 =	vld [tilespmem:s0+$0xC00]  }
0x221: {  	v4 =	vld [tilespmem:s1+$0x8C00]  }
0x222: {  	(v2sf) =	vpush v2, $0x9;
	v38 =	vld [tilespmem:s0+$0xC10]  }
0x223: {  	v39 =	vld [tilespmem:s1+$0x8C10]  }
0x224: {  	(v2sf) =	vpush v1, $0x9;
	_ =	sdelay $0x3  }
0x225: {  	v3 =	vmul.f32 v4, v3;
	v40 =	vmul.f32 v39, v38;
	_ =	sdelay $0x1  }
0x226: {  	v3 =	vadd.f32 v40, v3;
	_ =	sdelay $0x1  }
0x227: {  	(xrf2) =	vadd.scan.msk.f32 $0xffff, v3  }
0x228: {  	s21 =	sadd.s32 $0xFFFFFFF9, s28  }
0x229: {  	v3 =	vmov s21  }
0x22a: {  	v3 =	vshrl.u32 v3, $0x3  }
0x22b: {  	v3 =	vshll.u32 v3, v0  }
0x22c: {  	s1 =	spop (v2sf);
	v3 =	vbroadcast v3, $0x0  }
0x22d: {  	s0 =	sand.u32 $0x7, s1  }
0x22e: {  	s17 =	spop (v2sf);
	s0 =	sshll.u32 s0, $0x2;
	s21 =	sshll.u32 s1, $0x2  }
0x22f: {  	s1 =	sand.u32 $0xFFFFFFE0, s21;
	s21 =	sand.u32 $0x7, s17;
	s17 =	sshll.u32 s17, $0x2  }
0x230: {  	s0 =	sor.u32 s0, s1;
	s17 =	sand.u32 $0xFFFFFFE0, s17;
	s21 =	sshll.u32 s21, $0x2  }
0x231: {  	s0 =	sshra.s32 s0, $0x2;
	s1 =	sor.u32 s21, s17;
	v41, _, _ =	vpop (xrf2)  }
0x232: {  	s0 =	sadd.s32 s31, s0;
	s1 =	sshra.s32 s1, $0x2;
	[tilespmem:v3+s20+$0x0] =	vst.idx.msk vm0, v41  }
0x233: {  	s1 =	sadd.s32 s31, s1;
	v3 =	vld [tilespmem:s0+$0xC80]  }
0x234: {  	v4 =	vld [tilespmem:s1+$0x8C80]  }
0x235: {  	(v2sf) =	vpush v2, $0xA;
	v42 =	vld [tilespmem:s0+$0xC90]  }
0x236: {  	v43 =	vld [tilespmem:s1+$0x8C90]  }
0x237: {  	(v2sf) =	vpush v1, $0xA;
	_ =	sdelay $0x3  }
0x238: {  	v3 =	vmul.f32 v4, v3;
	v44 =	vmul.f32 v43, v42;
	_ =	sdelay $0x1  }
0x239: {  	v3 =	vadd.f32 v44, v3;
	_ =	sdelay $0x1  }
0x23a: {  	s21 =	sadd.s32 $0xFFFFFFFA, s28;
	(xrf2) =	vadd.scan.msk.f32 $0xffff, v3  }
0x23b: {  	v3 =	vmov s21  }
0x23c: {  	v3 =	vshrl.u32 v3, $0x3  }
0x23d: {  	v3 =	vshll.u32 v3, v0  }
0x23e: {  	v3 =	vadd.s32 $0x1, v3  }
0x23f: {  	s1 =	spop (v2sf);
	v3 =	vbroadcast v3, $0x0  }
0x240: {  	s0 =	sand.u32 $0x7, s1  }
0x241: {  	s17 =	spop (v2sf);
	s0 =	sshll.u32 s0, $0x2;
	s21 =	sshll.u32 s1, $0x2  }
0x242: {  	s1 =	sand.u32 $0xFFFFFFE0, s21;
	s21 =	sand.u32 $0x7, s17;
	s17 =	sshll.u32 s17, $0x2  }
0x243: {  	s0 =	sor.u32 s0, s1;
	s17 =	sand.u32 $0xFFFFFFE0, s17;
	s21 =	sshll.u32 s21, $0x2  }
0x244: {  	s0 =	sshra.s32 s0, $0x2;
	s1 =	sor.u32 s21, s17;
	v45, _, _ =	vpop (xrf2)  }
0x245: {  	s0 =	sadd.s32 s31, s0;
	s1 =	sshra.s32 s1, $0x2;
	[tilespmem:v3+s20+$0x0] =	vst.idx.msk vm0, v45  }
0x246: {  	s1 =	sadd.s32 s31, s1;
	v3 =	vld [tilespmem:s0+$0xD00]  }
0x247: {  	v4 =	vld [tilespmem:s1+$0x8D00]  }
0x248: {  	(v2sf) =	vpush v2, $0xB;
	v46 =	vld [tilespmem:s0+$0xD10]  }
0x249: {  	v47 =	vld [tilespmem:s1+$0x8D10]  }
0x24a: {  	(v2sf) =	vpush v1, $0xB;
	_ =	sdelay $0x3  }
0x24b: {  	v3 =	vmul.f32 v4, v3;
	v48 =	vmul.f32 v47, v46;
	_ =	sdelay $0x1  }
0x24c: {  	v3 =	vadd.f32 v48, v3;
	_ =	sdelay $0x1  }
0x24d: {  	s21 =	sadd.s32 $0xFFFFFFFB, s28;
	(xrf2) =	vadd.scan.msk.f32 $0xffff, v3  }
0x24e: {  	v3 =	vmov s21  }
0x24f: {  	v3 =	vshrl.u32 v3, $0x3  }
0x250: {  	v3 =	vshll.u32 v3, v0  }
0x251: {  	v3 =	vadd.s32 $0x2, v3  }
0x252: {  	s1 =	spop (v2sf);
	v3 =	vbroadcast v3, $0x0  }
0x253: {  	s0 =	sand.u32 $0x7, s1  }
0x254: {  	s17 =	spop (v2sf);
	s0 =	sshll.u32 s0, $0x2;
	s21 =	sshll.u32 s1, $0x2  }
0x255: {  	s1 =	sand.u32 $0xFFFFFFE0, s21;
	s21 =	sand.u32 $0x7, s17;
	s17 =	sshll.u32 s17, $0x2  }
0x256: {  	s0 =	sor.u32 s0, s1;
	s17 =	sand.u32 $0xFFFFFFE0, s17;
	s21 =	sshll.u32 s21, $0x2  }
0x257: {  	s0 =	sshra.s32 s0, $0x2;
	s1 =	sor.u32 s21, s17;
	v49, _, _ =	vpop (xrf2)  }
0x258: {  	s0 =	sadd.s32 s31, s0;
	s1 =	sshra.s32 s1, $0x2;
	[tilespmem:v3+s20+$0x0] =	vst.idx.msk vm0, v49  }
0x259: {  	s1 =	sadd.s32 s31, s1;
	v3 =	vld [tilespmem:s0+$0xD80]  }
0x25a: {  	v4 =	vld [tilespmem:s1+$0x8D80]  }
0x25b: {  	(v2sf) =	vpush v2, $0xC;
	v50 =	vld [tilespmem:s0+$0xD90]  }
0x25c: {  	v51 =	vld [tilespmem:s1+$0x8D90]  }
0x25d: {  	(v2sf) =	vpush v1, $0xC;
	_ =	sdelay $0x3  }
0x25e: {  	v3 =	vmul.f32 v4, v3;
	v52 =	vmul.f32 v51, v50;
	_ =	sdelay $0x1  }
0x25f: {  	v3 =	vadd.f32 v52, v3;
	_ =	sdelay $0x1  }
0x260: {  	s21 =	sadd.s32 $0xFFFFFFFC, s28;
	(xrf2) =	vadd.scan.msk.f32 $0xffff, v3  }
0x261: {  	v3 =	vmov s21  }
0x262: {  	v3 =	vshrl.u32 v3, $0x3  }
0x263: {  	v3 =	vshll.u32 v3, v0  }
0x264: {  	v3 =	vadd.s32 $0x3, v3  }
0x265: {  	s1 =	spop (v2sf);
	v3 =	vbroadcast v3, $0x0  }
0x266: {  	s0 =	sand.u32 $0x7, s1  }
0x267: {  	s17 =	spop (v2sf);
	s0 =	sshll.u32 s0, $0x2;
	s21 =	sshll.u32 s1, $0x2  }
0x268: {  	s1 =	sand.u32 $0xFFFFFFE0, s21;
	s21 =	sand.u32 $0x7, s17;
	s17 =	sshll.u32 s17, $0x2  }
0x269: {  	s0 =	sor.u32 s0, s1;
	s17 =	sand.u32 $0xFFFFFFE0, s17;
	s21 =	sshll.u32 s21, $0x2  }
0x26a: {  	s0 =	sshra.s32 s0, $0x2;
	s1 =	sor.u32 s21, s17;
	v53, _, _ =	vpop (xrf2)  }
0x26b: {  	s0 =	sadd.s32 s31, s0;
	s1 =	sshra.s32 s1, $0x2;
	[tilespmem:v3+s20+$0x0] =	vst.idx.msk vm0, v53  }
0x26c: {  	s1 =	sadd.s32 s31, s1;
	v3 =	vld [tilespmem:s0+$0xE00]  }
0x26d: {  	v4 =	vld [tilespmem:s1+$0x8E00]  }
0x26e: {  	(v2sf) =	vpush v2, $0xD;
	v54 =	vld [tilespmem:s0+$0xE10]  }
0x26f: {  	v55 =	vld [tilespmem:s1+$0x8E10]  }
0x270: {  	(v2sf) =	vpush v1, $0xD;
	_ =	sdelay $0x3  }
0x271: {  	v3 =	vmul.f32 v4, v3;
	v56 =	vmul.f32 v55, v54;
	_ =	sdelay $0x1  }
0x272: {  	v3 =	vadd.f32 v56, v3;
	_ =	sdelay $0x1  }
0x273: {  	s21 =	sadd.s32 $0xFFFFFFFD, s28;
	(xrf2) =	vadd.scan.msk.f32 $0xffff, v3  }
0x274: {  	v3 =	vmov s21  }
0x275: {  	v3 =	vshrl.u32 v3, $0x3  }
0x276: {  	v3 =	vshll.u32 v3, v0  }
0x277: {  	v3 =	vadd.s32 $0x4, v3  }
0x278: {  	s1 =	spop (v2sf);
	v3 =	vbroadcast v3, $0x0  }
0x279: {  	s0 =	sand.u32 $0x7, s1  }
0x27a: {  	s17 =	spop (v2sf);
	s0 =	sshll.u32 s0, $0x2;
	s21 =	sshll.u32 s1, $0x2  }
0x27b: {  	s1 =	sand.u32 $0xFFFFFFE0, s21;
	s21 =	sand.u32 $0x7, s17;
	s17 =	sshll.u32 s17, $0x2  }
0x27c: {  	s0 =	sor.u32 s0, s1;
	s17 =	sand.u32 $0xFFFFFFE0, s17;
	s21 =	sshll.u32 s21, $0x2  }
0x27d: {  	s0 =	sshra.s32 s0, $0x2;
	s1 =	sor.u32 s21, s17;
	v57, _, _ =	vpop (xrf2)  }
0x27e: {  	s0 =	sadd.s32 s31, s0;
	s1 =	sshra.s32 s1, $0x2;
	[tilespmem:v3+s20+$0x0] =	vst.idx.msk vm0, v57  }
0x27f: {  	s1 =	sadd.s32 s31, s1;
	v3 =	vld [tilespmem:s0+$0xE80]  }
0x280: {  	v4 =	vld [tilespmem:s1+$0x8E80]  }
0x281: {  	(v2sf) =	vpush v2, $0xE;
	v58 =	vld [tilespmem:s0+$0xE90]  }
0x282: {  	v59 =	vld [tilespmem:s1+$0x8E90]  }
0x283: {  	(v2sf) =	vpush v1, $0xE;
	_ =	sdelay $0x3  }
0x284: {  	v3 =	vmul.f32 v4, v3;
	v60 =	vmul.f32 v59, v58;
	_ =	sdelay $0x1  }
0x285: {  	v3 =	vadd.f32 v60, v3;
	_ =	sdelay $0x1  }
0x286: {  	s21 =	sadd.s32 $0xFFFFFFFE, s28;
	(xrf2) =	vadd.scan.msk.f32 $0xffff, v3  }
0x287: {  	v3 =	vmov s21  }
0x288: {  	v3 =	vshrl.u32 v3, $0x3  }
0x289: {  	v3 =	vshll.u32 v3, v0  }
0x28a: {  	v3 =	vadd.s32 $0x5, v3  }
0x28b: {  	s1 =	spop (v2sf);
	v3 =	vbroadcast v3, $0x0  }
0x28c: {  	s0 =	sand.u32 $0x7, s1  }
0x28d: {  	s17 =	spop (v2sf);
	s0 =	sshll.u32 s0, $0x2;
	s21 =	sshll.u32 s1, $0x2  }
0x28e: {  	s1 =	sand.u32 $0xFFFFFFE0, s21;
	s21 =	sand.u32 $0x7, s17;
	s17 =	sshll.u32 s17, $0x2  }
0x28f: {  	s0 =	sor.u32 s0, s1;
	s17 =	sand.u32 $0xFFFFFFE0, s17;
	s21 =	sshll.u32 s21, $0x2  }
0x290: {  	s0 =	sshra.s32 s0, $0x2;
	s1 =	sor.u32 s21, s17;
	v61, _, _ =	vpop (xrf2)  }
0x291: {  	s0 =	sadd.s32 s31, s0;
	s1 =	sshra.s32 s1, $0x2;
	[tilespmem:v3+s20+$0x0] =	vst.idx.msk vm0, v61  }
0x292: {  	s1 =	sadd.s32 s31, s1;
	v3 =	vld [tilespmem:s0+$0xF00]  }
0x293: {  	v4 =	vld [tilespmem:s1+$0x8F00]  }
0x294: {  	(v2sf) =	vpush v2, $0xF;
	v62 =	vld [tilespmem:s0+$0xF10]  }
0x295: {  	v2 =	vld [tilespmem:s1+$0x8F10]  }
0x296: {  	(v2sf) =	vpush v1, $0xF;
	_ =	sdelay $0x3  }
0x297: {  	v1 =	vmul.f32 v4, v3;
	v2 =	vmul.f32 v2, v62;
	_ =	sdelay $0x1  }
0x298: {  	v1 =	vadd.f32 v2, v1;
	_ =	sdelay $0x1  }
0x299: {  	s21 =	sadd.s32 $0xFFFFFFFF, s28;
	(xrf2) =	vadd.scan.msk.f32 $0xffff, v1  }
0x29a: {  	v1 =	vmov s21  }
0x29b: {  	v1 =	vshrl.u32 v1, $0x3  }
0x29c: {  	v1 =	vshll.u32 v1, v0  }
0x29d: {  	v1 =	vadd.s32 $0x6, v1  }
0x29e: {  	s1 =	spop (v2sf);
	v1 =	vbroadcast v1, $0x0  }
0x29f: {  	s0 =	sand.u32 $0x7, s1  }
0x2a0: {  	s17 =	spop (v2sf);
	s0 =	sshll.u32 s0, $0x2;
	s21 =	sshll.u32 s1, $0x2  }
0x2a1: {  	s1 =	sand.u32 $0xFFFFFFE0, s21;
	s21 =	sand.u32 $0x7, s17;
	s17 =	sshll.u32 s17, $0x2  }
0x2a2: {  	s0 =	sor.u32 s0, s1;
	s17 =	sand.u32 $0xFFFFFFE0, s17;
	s21 =	sshll.u32 s21, $0x2  }
0x2a3: {  	s0 =	sshra.s32 s0, $0x2;
	s1 =	sor.u32 s21, s17;
	v2, _, _ =	vpop (xrf2)  }
0x2a4: {  	s0 =	sadd.s32 s31, s0;
	s1 =	sshra.s32 s1, $0x2;
	[tilespmem:v1+s20+$0x0] =	vst.idx.msk vm0, v2  }
0x2a5: {  	s1 =	sadd.s32 s31, s1;
	v1 =	vld [tilespmem:s0+$0xF80]  }
0x2a6: {  	v2 =	vld [tilespmem:s1+$0x8F80]  }
0x2a7: {  	v3 =	vld [tilespmem:s0+$0xF90]  }
0x2a8: {  	v63 =	vld [tilespmem:s1+$0x8F90];
	_ =	sdelay $0x4  }
0x2a9: {  	v1 =	vmul.f32 v2, v1;
	v2 =	vmul.f32 v63, v3;
	_ =	sdelay $0x1  }
0x2aa: {  	v1 =	vadd.f32 v2, v1;
	_ =	sdelay $0x1  }
0x2ab: {  	(xrf2) =	vadd.scan.msk.f32 $0xffff, v1  }
0x2ac: {  	v1 =	vmov s28  }
0x2ad: {  	v1 =	vshrl.u32 v1, $0x3  }
0x2ae: {  	v1 =	vshll.u32 v1, v0  }
0x2af: {  	v1 =	vadd.s32 $0x7, v1  }
0x2b0: {  	v1 =	vbroadcast v1, $0x0  }
0x2b1: {  	p0 =	sne.s32 s26, $0x1E000  }
.Ltmp1:
0x2b2: {  	_ = 	snop;
	(pc) =	sbr.rel @p0 .LBB2_4-.Ltmp1, $3  }
0x2b3: {  	_ =	sdelay $0x1  }
0x2b4: {  	s29 =	sadd.s32 $0x10, s29;
	v2, _, _ =	vpop (xrf2)  }
0x2b5: {  	s30 =	sadd.s32 $0x10, s30;
	s26 =	sadd.s32 $0x2000, s26;
	s28 =	sadd.s32 $0x10, s28;
	[tilespmem:v1+s20+$0x0] =	vst.idx.msk vm0, v2  }
0x2b6: {  	s25 =	sadd.s32 $0x1, s25  }
0x2b7: {  	p0 =	sne.s32 s25, s10  }
.Ltmp2:
0x2b8: {  	_ = 	snop;
	(pc) =	sbr.rel @p0 .LBB2_1-.Ltmp2, $4  }
0x2b9: {  	[hbm4b:s9+s2] =	stream.linear.scatter [tilespmem:s20], [sflag:$0x2], $0x200, $0x38;
	[tilespmem:$0x10A00] =	vst v63  }
0x2ba: {  	_ =	swait.ge [sflag:s11], $0x200  }
0x2bb: {  	[sflag:s11] =	ssyncset.done $0x0  }
0x2bc: {  	[sflag:s11] =	ssyncadd.s32 $0xFFFFFE00  }
0x2bd: {  	_ =	sfence.sel $0x180000  }
0x2be: {  	[bflag:$0x0] =	sbarrier.arrive $0xFFFF  }
0x2bf: {  	_ =	strace $0x90000047  }
0x2c0: {  	s0 =	stileid.u32;
	[bflag:$0x2] =	sbarrier.arrive $0xFFFF  }
0x2c1: {  	p0 =	sne.s32 s0, $0x0;
	s0 =	rddreg [dreg:$0x2]  }
0x2c2: {  	s0 =	sadd.s32 @!p0 $0x100000, s0  }
0x2c3: {  	[sflag:s0] =	ssyncadd.tile.s32 @!p0 $0x1;
	_ =	shalt  }
.Lfunc_end2:
_tile_overlayer_lowered:
.L_overlay_start_2:
0x2c4: {  	(tag) =	ssettag $0x2  }
0x2c5: {  	s0 =	rddreg [dreg:$0x0];
	s2 =	stileid.u32  }
0x2c6: {  	s1 =	rddreg [dreg:$0x1];
	p0 =	sne.s32 s2, $0x0  }
0x2c7: {  	s3 =	rddreg [dreg:$0x2];
	[bflag:$0x3] =	sbarrier.arrive $0xFFFF;
	s2 =	simm.s32 @!p0 $0x1C02  }
0x2c8: {  	[timem:s3], [sflag:s2] =	dma.local @!p0 [hbm:s0], s1  }
0x2c9: {  	s0 =	simm.s32 @!p0 $0x2  }
0x2ca: {  	_ =	swait.ge @!p0 [sflag:s0], s1  }
0x2cb: {  	s1 =	ssub.s32 @!p0 $0x0, s1;
	[sflag:s0] =	ssyncset.done @!p0 $0x0  }
0x2cc: {  	[sflag:s0] =	ssyncadd.s32 @!p0 s1  }
0x2cd: {  	[bflag:$0x3] =	sbarrier.arrive $0xFFFF  }
0x2ce: {  	_ =	shalt  }

</sc_bundles>
